<compile_context>
chip_gen: v7x
topology: tpu7x:2x2x1
jax: 0.10.2.dev20260603
libtpu: 0.0.44.dev20260713+nightly
codegen_flags: <defaults>
</compile_context>

<pallas_src>
import jax
import jax.numpy as jnp
from jax import lax
from jax.experimental import pallas as pl
from jax.experimental.pallas import tpu as pltpu
from jax.experimental.pallas import tpu_sc as plsc

_Q = 8000
_S = 2000
_N = 10000
_EMB = 128
_E = 320000

_AUG = 144
_DEG = _AUG - _EMB
_NSC = 2
_NTILE = 16
_NW = _NSC * _NTILE
_EPT = _E // _NW
_CHUNK = 64
_NCHUNK = _EPT // _CHUNK
_TAIL = _EPT - _NCHUNK * _CHUNK
_RPT = _Q // _NTILE
_SPT = _S // _NTILE
_CMB = _Q + _S


def _segments(total):
    segs = [(off, _CHUNK) for off in range(0, total - total % _CHUNK, _CHUNK)]
    if total % _CHUNK:
        segs.append((total - total % _CHUNK, total % _CHUNK))
    return segs


def _sc_body(skl_hbm, edges_hbm, feat_hbm, deg_hbm,
             sidx, didx, rows_a, rows_b, gs_a, gs_b, ss_a, ss_b, comb_sh):
    cid = lax.axis_index("c")
    sid = lax.axis_index("s")
    w = cid * _NTILE + sid

    pltpu.async_copy(edges_hbm.at[0, pl.ds(w * _EPT, _EPT)], sidx, gs_a)
    pltpu.async_copy(edges_hbm.at[1, pl.ds(w * _EPT, _EPT)], didx, gs_b)

    def _zrow(r, carry):
        for k in range(_AUG // 16):
            rows_a[r, pl.ds(k * 16, 16)] = jnp.zeros((16,), jnp.float32)
        return carry

    lax.fori_loop(0, _CHUNK, _zrow, 0)
    for off, sz in _segments(_RPT):
        pltpu.sync_copy(rows_a.at[pl.ds(0, sz)],
                        comb_sh.at[pl.ds(sid * _RPT + off, sz)])

    for off, sz in _segments(_SPT):
        pltpu.sync_copy(skl_hbm.at[pl.ds(sid * _SPT + off, sz)],
                        rows_a.at[pl.ds(0, sz)])
        pltpu.sync_copy(rows_a.at[pl.ds(0, sz)],
                        comb_sh.at[pl.ds(_Q + sid * _SPT + off, sz)])
    pltpu.make_async_copy(edges_hbm.at[0, pl.ds(w * _EPT, _EPT)], sidx,
                          gs_a).wait()
    pltpu.make_async_copy(edges_hbm.at[1, pl.ds(w * _EPT, _EPT)], didx,
                          gs_b).wait()
    plsc.subcore_barrier()

    def _gather(c, buf, sem):
        pltpu.async_copy(comb_sh.at[didx.at[pl.ds(c * _CHUNK, _CHUNK)]], buf, sem)

    def _gather_wait(c, buf, sem):
        pltpu.make_async_copy(comb_sh.at[didx.at[pl.ds(c * _CHUNK, _CHUNK)]],
                              buf, sem).wait()

    def _scatter(c, buf, sem):
        pltpu.async_copy(buf, comb_sh.at[sidx.at[pl.ds(c * _CHUNK, _CHUNK)]],
                         sem, add=True)

    def _scatter_wait(c, buf, sem):
        pltpu.make_async_copy(buf,
                              comb_sh.at[sidx.at[pl.ds(c * _CHUNK, _CHUNK)]],
                              sem).wait()

    _gather(0, rows_a, gs_a)
    _gather(1, rows_b, gs_b)
    _gather_wait(0, rows_a, gs_a)
    _scatter(0, rows_a, ss_a)
    _gather_wait(1, rows_b, gs_b)
    _scatter(1, rows_b, ss_b)

    def _pipe(i, carry):
        c = 2 + 2 * i
        _scatter_wait(c - 2, rows_a, ss_a)
        _gather(c, rows_a, gs_a)
        _scatter_wait(c - 1, rows_b, ss_b)
        _gather(c + 1, rows_b, gs_b)
        _gather_wait(c, rows_a, gs_a)
        _scatter(c, rows_a, ss_a)
        _gather_wait(c + 1, rows_b, gs_b)
        _scatter(c + 1, rows_b, ss_b)
        return carry

    lax.fori_loop(0, (_NCHUNK - 2) // 2, _pipe, 0)
    _scatter_wait(_NCHUNK - 2, rows_a, ss_a)
    _scatter_wait(_NCHUNK - 1, rows_b, ss_b)
    if _TAIL:
        tl = pl.ds(_NCHUNK * _CHUNK, _TAIL)
        buf = rows_a.at[pl.ds(0, _TAIL)]
        pltpu.async_copy(comb_sh.at[didx.at[tl]], buf, gs_a).wait()
        pltpu.sync_copy(buf, comb_sh.at[sidx.at[tl]], add=True)
    plsc.subcore_barrier()

    for off, sz in _segments(_RPT):
        base = sid * _RPT + off
        pltpu.sync_copy(comb_sh.at[pl.ds(base, sz)], rows_a.at[pl.ds(0, sz)])
        pltpu.sync_copy(rows_a.at[pl.ds(0, sz), pl.ds(0, _EMB)],
                        feat_hbm.at[cid, pl.ds(base, sz)])
        pltpu.sync_copy(rows_a.at[pl.ds(0, sz), pl.ds(_EMB, _DEG)],
                        deg_hbm.at[cid, pl.ds(base, sz)])


_sc_aggregate = pl.kernel(
    _sc_body,
    out_type=(jax.ShapeDtypeStruct((_NSC, _Q, _EMB), jnp.float32),
              jax.ShapeDtypeStruct((_NSC, _Q, _DEG), jnp.float32)),
    mesh=plsc.VectorSubcoreMesh(core_axis_name="c", subcore_axis_name="s",
                                num_cores=_NSC),
    scratch_types=[
        pltpu.VMEM((_EPT,), jnp.int32),
        pltpu.VMEM((_EPT,), jnp.int32),
        pltpu.VMEM((_CHUNK, _AUG), jnp.float32),
        pltpu.VMEM((_CHUNK, _AUG), jnp.float32),
        pltpu.SemaphoreType.DMA,
        pltpu.SemaphoreType.DMA,
        pltpu.SemaphoreType.DMA,
        pltpu.SemaphoreType.DMA,
        pltpu.VMEM_SHARED((_CMB, _AUG), jnp.float32),
    ],
    compiler_params=pltpu.CompilerParams(use_tc_tiling_on_sc=False),
)

_BLK = 4000
_NB = _Q // _BLK


def _head_body(feat_ref, deg_ref, nodes_ref, w1_ref, w2_ref, bias_ref, out_ref):
    j = pl.program_id(0)

    @pl.when(j < 2 * _NB)
    def _compute():
        agg = feat_ref[0]
        deg = deg_ref[0, :, 0:1]
        for p in range(1, _NSC):
            agg = agg + feat_ref[p]
            deg = deg + deg_ref[p, :, 0:1]
        aggn = agg / jnp.maximum(deg, 1.0)
        h = jnp.dot(aggn, w1_ref[...], preferred_element_type=jnp.float32)
        h = h + jnp.dot(nodes_ref[...], w2_ref[...],
                        preferred_element_type=jnp.float32)
        h = jnp.maximum(h, 0.0)
        out_ref[...] = h + bias_ref[0:1, :]

    @pl.when(j == 2 * _NB)
    def _pad_row():
        out_ref[...] = jnp.zeros((_BLK, _EMB), jnp.float32)


_head = pl.pallas_call(
    _head_body,
    grid=(2 * _NB + 1,),
    in_specs=[
        pl.BlockSpec((_NSC, _BLK, _EMB), lambda j: (0, j % _NB, 0)),
        pl.BlockSpec((_NSC, _BLK, _DEG), lambda j: (0, j % _NB, 0)),
        pl.BlockSpec((_BLK, _EMB), lambda j: (j % _NB, 0)),
        pl.BlockSpec((_EMB, _EMB), lambda j: (0, 0)),
        pl.BlockSpec((_EMB, _EMB), lambda j: (0, 0)),
        pl.BlockSpec((8, _EMB), lambda j: (j // _NB, 0)),
    ],
    out_specs=pl.BlockSpec((_BLK, _EMB), lambda j: (j, 0)),
    out_shape=jax.ShapeDtypeStruct((2 * _Q + 1, _EMB), jnp.float32),
)


def kernel(nodes_features, edge_index, W1, W2, correct_bias, incorrect_bias):
    nf = nodes_features.astype(jnp.float32)
    edges = edge_index.astype(jnp.int32)

    skl_aug = jnp.concatenate(
        [nf[_Q:],
         jnp.ones((_S, 1), jnp.float32),
         jnp.zeros((_S, _AUG - _EMB - 1), jnp.float32)], axis=1)

    feat, deg = _sc_aggregate(skl_aug, edges)

    bias3 = jnp.concatenate(
        [incorrect_bias.astype(jnp.float32),
         jnp.zeros((7, _EMB), jnp.float32),
         correct_bias.astype(jnp.float32),
         jnp.zeros((15, _EMB), jnp.float32)], axis=0)

    return _head(feat, deg, nf, W1.astype(jnp.float32),
                 W2.astype(jnp.float32), bias3)

# --- scband reference (transcript-rebuilt; emitter-appended) ---
"""Pipeline reference for scband-gnnbias-73400991088665 (READ-ONLY COPY).

The authoritative reference and input builder live on the scoring server;
editing this copy changes nothing except your own understanding.
"""

import jax, jax.numpy as jnp
import numpy as np

Q = 8000
S = 2000
EMB = 128
E = 320000


def setup_inputs(seed: int = 0) -> dict:
    key = jax.random.key(seed)
    ks = jax.random.split(key, 7)
    nodes_features = jax.random.normal(ks[0], (Q + S, EMB), dtype=jnp.float32)
    src = jax.random.randint(ks[1], (E,), 0, Q)
    dst = Q + jax.random.randint(ks[2], (E,), 0, S)
    edge_index = jnp.stack([src, dst], axis=0)
    W1 = jax.random.normal(ks[3], (EMB, EMB), dtype=jnp.float32) * 0.05
    W2 = jax.random.normal(ks[4], (EMB, EMB), dtype=jnp.float32) * 0.05
    correct_bias = jax.random.normal(ks[5], (1, EMB), dtype=jnp.float32) * 0.01
    incorrect_bias = jax.random.normal(ks[6], (1, EMB), dtype=jnp.float32) * 0.01
    return {
        "nodes_features": nodes_features,
        "edge_index": edge_index,
        "W1": W1,
        "W2": W2,
        "correct_bias": correct_bias,
        "incorrect_bias": incorrect_bias,
    }


def reference(nodes_features, edge_index, W1, W2, correct_bias, incorrect_bias):
    # Bipartite GNN layer (BiGNN): mean-aggregate over both edge directions,
    # combine with self features via linear transforms, ReLU nonlinearity.
    src = edge_index[0]
    dst = edge_index[1]
    N = nodes_features.shape[0]
    agg = jnp.zeros_like(nodes_features)
    agg = agg.at[dst].add(nodes_features[src])  # question -> skill messages
    agg = agg.at[src].add(nodes_features[dst])  # skill -> question messages
    deg = jnp.zeros((N, 1), dtype=nodes_features.dtype)
    deg = deg.at[dst].add(1.0)
    deg = deg.at[src].add(1.0)
    agg = agg / jnp.maximum(deg, 1.0)
    knowledge_emb = jax.nn.relu(agg @ W1 + nodes_features @ W2)
    # GNNBias head
    ques_base = knowledge_emb[:Q]
    wrong_emb = ques_base + incorrect_bias
    right_emb = ques_base + correct_bias
    padding = jnp.zeros((1, EMB), dtype=nodes_features.dtype)
    full_emb = jnp.concatenate([wrong_emb, right_emb, padding], axis=0)
    return full_emb

if __name__ == "__main__":
    import jax
    _d = setup_inputs()
    print(jax.jit(kernel)(*tuple(_d.values())))

</pallas_src>

<mosaic_0001>
#map = affine_map<(d0, d1) -> (0, 0)>
#map1 = affine_map<(d0, d1) -> (0, 0, 0)>
module attributes {stable_mosaic.version = 14 : i64} {
  func.func @_sc_body(%arg0: i32, %arg1: i32, %arg2: memref<2000x144xf32, #tpu.memory_space<hbm>>, %arg3: memref<2x320000xi32, #tpu.memory_space<hbm>>, %arg4: memref<2x8000x128xf32, #tpu.memory_space<hbm>>, %arg5: memref<2x8000x16xf32, #tpu.memory_space<hbm>>, %arg6: memref<10000xi32, #tpu.memory_space<vmem>>, %arg7: memref<10000xi32, #tpu.memory_space<vmem>>, %arg8: memref<64x144xf32, #tpu.memory_space<vmem>>, %arg9: memref<64x144xf32, #tpu.memory_space<vmem>>, %arg10: memref<!tpu.dma_semaphore, #tpu.memory_space<semaphore_mem>>, %arg11: memref<!tpu.dma_semaphore, #tpu.memory_space<semaphore_mem>>, %arg12: memref<!tpu.dma_semaphore, #tpu.memory_space<semaphore_mem>>, %arg13: memref<!tpu.dma_semaphore, #tpu.memory_space<semaphore_mem>>, %arg14: memref<10000x144xf32, #tpu.memory_space<vmem_shared>>) attributes {dimension_semantics = [#tpu.dimension_semantics<core_parallel>, #tpu.dimension_semantics<subcore_parallel>], iteration_bounds = array<i64: 2, 16>, scalar_prefetch = 0 : i64, scratch_operands = 9 : i64, tpu.core_type = #tpu.core_type<sc_vector_subcore>, window_params = [{transform_indices = #map}, {transform_indices = #map}, {transform_indices = #map1}, {transform_indices = #map1}]} {
    %mul3A = arith.constant 16 : i32
    %mul3A_0 = arith.muli %arg0, %mul3A : i32
    %add3A = arith.addi %mul3A_0, %arg1 : i32
    %mul3A_1 = arith.constant 10000 : i32
    %mul3A_2 = arith.muli %add3A, %mul3A_1 : i32
    %dma_start3A = arith.constant 0 : i32
    %dma_start3A_3 = tpu.memref_slice %arg3[%dma_start3A, %mul3A_2] : memref<2x320000xi32, #tpu.memory_space<hbm>> -> memref<1x10000xi32, #tpu.memory_space<hbm>>
    %dma_start3A_4 = tpu.memref_squeeze %dma_start3A_3 : memref<1x10000xi32, #tpu.memory_space<hbm>> -> memref<10000xi32, #tpu.memory_space<hbm>>
    %dma_start3A_5 = tpu.memref_slice %arg3[%dma_start3A, %mul3A_2] : memref<2x320000xi32, #tpu.memory_space<hbm>> -> memref<1x10000xi32, #tpu.memory_space<hbm>>
    %dma_start3A_6 = tpu.memref_squeeze %dma_start3A_5 : memref<1x10000xi32, #tpu.memory_space<hbm>> -> memref<10000xi32, #tpu.memory_space<hbm>>
    tpu.enqueue_dma source(%dma_start3A_6 : memref<10000xi32, #tpu.memory_space<hbm>>) target(%arg6 : memref<10000xi32, #tpu.memory_space<vmem>>) target_semaphore(%arg10 : memref<!tpu.dma_semaphore, #tpu.memory_space<semaphore_mem>>)
    %mul3A_7 = arith.constant 10000 : i32
    %mul3A_8 = arith.muli %add3A, %mul3A_7 : i32
    %dma_start3A_9 = arith.constant 1 : i32
    %dma_start3A_10 = tpu.memref_slice %arg3[%dma_start3A_9, %mul3A_8] : memref<2x320000xi32, #tpu.memory_space<hbm>> -> memref<1x10000xi32, #tpu.memory_space<hbm>>
    %dma_start3A_11 = tpu.memref_squeeze %dma_start3A_10 : memref<1x10000xi32, #tpu.memory_space<hbm>> -> memref<10000xi32, #tpu.memory_space<hbm>>
    %dma_start3A_12 = tpu.memref_slice %arg3[%dma_start3A_9, %mul3A_8] : memref<2x320000xi32, #tpu.memory_space<hbm>> -> memref<1x10000xi32, #tpu.memory_space<hbm>>
    %dma_start3A_13 = tpu.memref_squeeze %dma_start3A_12 : memref<1x10000xi32, #tpu.memory_space<hbm>> -> memref<10000xi32, #tpu.memory_space<hbm>>
    tpu.enqueue_dma source(%dma_start3A_13 : memref<10000xi32, #tpu.memory_space<hbm>>) target(%arg7 : memref<10000xi32, #tpu.memory_space<vmem>>) target_semaphore(%arg11 : memref<!tpu.dma_semaphore, #tpu.memory_space<semaphore_mem>>)
    %scan3A = arith.constant 0 : i32
    %scan3A_14 = arith.constant 0 : i32
    %scan3A_15 = arith.constant 64 : i32
    %scan3A_16 = arith.addi %scan3A_14, %scan3A_15 : i32
    %scan3A_17 = arith.constant 1 : i32
    scf.for %scan3A_179 = %scan3A_14 to %scan3A_16 step %scan3A_17  : i32 {
      %broadcast_in_dim3A = arith.constant 0.000000e+00 : f32
      %broadcast_in_dim3A_180 = vector.broadcast %broadcast_in_dim3A : f32 to vector<16xf32>
      %swap3A = arith.index_cast %scan3A_179 : i32 to index
      %swap3A_181 = arith.constant 0 : index
      %swap3A_182 = tpu.vector_load %arg8[%swap3A, %swap3A_181] {strides = array<i32>} : memref<64x144xf32, #tpu.memory_space<vmem>>, vector<1x16xf32>,
      %swap3A_183 = vector.shape_cast %swap3A_182 : vector<1x16xf32> to vector<16xf32>
      %swap3A_184 = vector.shape_cast %broadcast_in_dim3A_180 : vector<16xf32> to vector<1x16xf32>
      tpu.vector_store %arg8[%swap3A, %swap3A_181], %swap3A_184 {strides = array<i32>} : memref<64x144xf32, #tpu.memory_space<vmem>>, vector<1x16xf32>,
      %broadcast_in_dim3A_185 = arith.constant 0.000000e+00 : f32
      %broadcast_in_dim3A_186 = vector.broadcast %broadcast_in_dim3A_185 : f32 to vector<16xf32>
      %swap3A_187 = arith.index_cast %scan3A_179 : i32 to index
      %swap3A_188 = arith.constant 16 : index
      %swap3A_189 = tpu.vector_load %arg8[%swap3A_187, %swap3A_188] {strides = array<i32>} : memref<64x144xf32, #tpu.memory_space<vmem>>, vector<1x16xf32>,
      %swap3A_190 = vector.shape_cast %swap3A_189 : vector<1x16xf32> to vector<16xf32>
      %swap3A_191 = vector.shape_cast %broadcast_in_dim3A_186 : vector<16xf32> to vector<1x16xf32>
      tpu.vector_store %arg8[%swap3A_187, %swap3A_188], %swap3A_191 {strides = array<i32>} : memref<64x144xf32, #tpu.memory_space<vmem>>, vector<1x16xf32>,
      %broadcast_in_dim3A_192 = arith.constant 0.000000e+00 : f32
      %broadcast_in_dim3A_193 = vector.broadcast %broadcast_in_dim3A_192 : f32 to vector<16xf32>
      %swap3A_194 = arith.index_cast %scan3A_179 : i32 to index
      %swap3A_195 = arith.constant 32 : index
      %swap3A_196 = tpu.vector_load %arg8[%swap3A_194, %swap3A_195] {strides = array<i32>} : memref<64x144xf32, #tpu.memory_space<vmem>>, vector<1x16xf32>,
      %swap3A_197 = vector.shape_cast %swap3A_196 : vector<1x16xf32> to vector<16xf32>
      %swap3A_198 = vector.shape_cast %broadcast_in_dim3A_193 : vector<16xf32> to vector<1x16xf32>
      tpu.vector_store %arg8[%swap3A_194, %swap3A_195], %swap3A_198 {strides = array<i32>} : memref<64x144xf32, #tpu.memory_space<vmem>>, vector<1x16xf32>,
      %broadcast_in_dim3A_199 = arith.constant 0.000000e+00 : f32
      %broadcast_in_dim3A_200 = vector.broadcast %broadcast_in_dim3A_199 : f32 to vector<16xf32>
      %swap3A_201 = arith.index_cast %scan3A_179 : i32 to index
      %swap3A_202 = arith.constant 48 : index
      %swap3A_203 = tpu.vector_load %arg8[%swap3A_201, %swap3A_202] {strides = array<i32>} : memref<64x144xf32, #tpu.memory_space<vmem>>, vector<1x16xf32>,
      %swap3A_204 = vector.shape_cast %swap3A_203 : vector<1x16xf32> to vector<16xf32>
      %swap3A_205 = vector.shape_cast %broadcast_in_dim3A_200 : vector<16xf32> to vector<1x16xf32>
      tpu.vector_store %arg8[%swap3A_201, %swap3A_202], %swap3A_205 {strides = array<i32>} : memref<64x144xf32, #tpu.memory_space<vmem>>, vector<1x16xf32>,
      %broadcast_in_dim3A_206 = arith.constant 0.000000e+00 : f32
      %broadcast_in_dim3A_207 = vector.broadcast %broadcast_in_dim3A_206 : f32 to vector<16xf32>
      %swap3A_208 = arith.index_cast %scan3A_179 : i32 to index
      %swap3A_209 = arith.constant 64 : index
      %swap3A_210 = tpu.vector_load %arg8[%swap3A_208, %swap3A_209] {strides = array<i32>} : memref<64x144xf32, #tpu.memory_space<vmem>>, vector<1x16xf32>,
      %swap3A_211 = vector.shape_cast %swap3A_210 : vector<1x16xf32> to vector<16xf32>
      %swap3A_212 = vector.shape_cast %broadcast_in_dim3A_207 : vector<16xf32> to vector<1x16xf32>
      tpu.vector_store %arg8[%swap3A_208, %swap3A_209], %swap3A_212 {strides = array<i32>} : memref<64x144xf32, #tpu.memory_space<vmem>>, vector<1x16xf32>,
      %broadcast_in_dim3A_213 = arith.constant 0.000000e+00 : f32
      %broadcast_in_dim3A_214 = vector.broadcast %broadcast_in_dim3A_213 : f32 to vector<16xf32>
      %swap3A_215 = arith.index_cast %scan3A_179 : i32 to index
      %swap3A_216 = arith.constant 80 : index
      %swap3A_217 = tpu.vector_load %arg8[%swap3A_215, %swap3A_216] {strides = array<i32>} : memref<64x144xf32, #tpu.memory_space<vmem>>, vector<1x16xf32>,
      %swap3A_218 = vector.shape_cast %swap3A_217 : vector<1x16xf32> to vector<16xf32>
      %swap3A_219 = vector.shape_cast %broadcast_in_dim3A_214 : vector<16xf32> to vector<1x16xf32>
      tpu.vector_store %arg8[%swap3A_215, %swap3A_216], %swap3A_219 {strides = array<i32>} : memref<64x144xf32, #tpu.memory_space<vmem>>, vector<1x16xf32>,
      %broadcast_in_dim3A_220 = arith.constant 0.000000e+00 : f32
      %broadcast_in_dim3A_221 = vector.broadcast %broadcast_in_dim3A_220 : f32 to vector<16xf32>
      %swap3A_222 = arith.index_cast %scan3A_179 : i32 to index
      %swap3A_223 = arith.constant 96 : index
      %swap3A_224 = tpu.vector_load %arg8[%swap3A_222, %swap3A_223] {strides = array<i32>} : memref<64x144xf32, #tpu.memory_space<vmem>>, vector<1x16xf32>,
      %swap3A_225 = vector.shape_cast %swap3A_224 : vector<1x16xf32> to vector<16xf32>
      %swap3A_226 = vector.shape_cast %broadcast_in_dim3A_221 : vector<16xf32> to vector<1x16xf32>
      tpu.vector_store %arg8[%swap3A_222, %swap3A_223], %swap3A_226 {strides = array<i32>} : memref<64x144xf32, #tpu.memory_space<vmem>>, vector<1x16xf32>,
      %broadcast_in_dim3A_227 = arith.constant 0.000000e+00 : f32
      %broadcast_in_dim3A_228 = vector.broadcast %broadcast_in_dim3A_227 : f32 to vector<16xf32>
      %swap3A_229 = arith.index_cast %scan3A_179 : i32 to index
      %swap3A_230 = arith.constant 112 : index
      %swap3A_231 = tpu.vector_load %arg8[%swap3A_229, %swap3A_230] {strides = array<i32>} : memref<64x144xf32, #tpu.memory_space<vmem>>, vector<1x16xf32>,
      %swap3A_232 = vector.shape_cast %swap3A_231 : vector<1x16xf32> to vector<16xf32>
      %swap3A_233 = vector.shape_cast %broadcast_in_dim3A_228 : vector<16xf32> to vector<1x16xf32>
      tpu.vector_store %arg8[%swap3A_229, %swap3A_230], %swap3A_233 {strides = array<i32>} : memref<64x144xf32, #tpu.memory_space<vmem>>, vector<1x16xf32>,
      %broadcast_in_dim3A_234 = arith.constant 0.000000e+00 : f32
      %broadcast_in_dim3A_235 = vector.broadcast %broadcast_in_dim3A_234 : f32 to vector<16xf32>
      %swap3A_236 = arith.index_cast %scan3A_179 : i32 to index
      %swap3A_237 = arith.constant 128 : index
      %swap3A_238 = tpu.vector_load %arg8[%swap3A_236, %swap3A_237] {strides = array<i32>} : memref<64x144xf32, #tpu.memory_space<vmem>>, vector<1x16xf32>,
      %swap3A_239 = vector.shape_cast %swap3A_238 : vector<1x16xf32> to vector<16xf32>
      %swap3A_240 = vector.shape_cast %broadcast_in_dim3A_235 : vector<16xf32> to vector<1x16xf32>
      tpu.vector_store %arg8[%swap3A_236, %swap3A_237], %swap3A_240 {strides = array<i32>} : memref<64x144xf32, #tpu.memory_space<vmem>>, vector<1x16xf32>,
    }
    %scan3A_18 = arith.constant 64 : i32
    %mul3A_19 = arith.constant 500 : i32
    %mul3A_20 = arith.muli %arg1, %mul3A_19 : i32
    %add3A_21 = arith.constant 0 : i32
    %add3A_22 = arith.addi %mul3A_20, %add3A_21 : i32
    "tpu.region"() ({
      %run_scoped3A = tpu.sem_alloc : memref<!tpu.dma_semaphore, #tpu.memory_space<semaphore_mem>>
      %dma_start3A_179 = arith.constant 0 : i32
      %dma_start3A_180 = arith.constant 0 : i32
      %dma_start3A_181 = tpu.memref_slice %arg8[%dma_start3A_179, %dma_start3A_180] : memref<64x144xf32, #tpu.memory_space<vmem>> -> memref<64x144xf32, #tpu.memory_space<vmem>>
      %dma_start3A_182 = arith.constant 0 : i32
      %dma_start3A_183 = tpu.memref_slice %arg14[%add3A_22, %dma_start3A_182] : memref<10000x144xf32, #tpu.memory_space<vmem_shared>> -> memref<64x144xf32, #tpu.memory_space<vmem_shared>>
      %dma_start3A_184 = arith.constant 0 : i32
      %dma_start3A_185 = tpu.memref_slice %arg14[%add3A_22, %dma_start3A_184] : memref<10000x144xf32, #tpu.memory_space<vmem_shared>> -> memref<64x144xf32, #tpu.memory_space<vmem_shared>>
      %dma_start3A_186 = arith.constant 0 : i32
      %dma_start3A_187 = arith.constant 0 : i32
      %dma_start3A_188 = tpu.memref_slice %arg8[%dma_start3A_186, %dma_start3A_187] : memref<64x144xf32, #tpu.memory_space<vmem>> -> memref<64x144xf32, #tpu.memory_space<vmem>>
      tpu.enqueue_dma source(%dma_start3A_188 : memref<64x144xf32, #tpu.memory_space<vmem>>) target(%dma_start3A_185 : memref<64x144xf32, #tpu.memory_space<vmem_shared>>) target_semaphore(%run_scoped3A : memref<!tpu.dma_semaphore, #tpu.memory_space<semaphore_mem>>)
      %dma_wait3A_189 = arith.constant 0 : i32
      %dma_wait3A_190 = arith.constant 0 : i32
      %dma_wait3A_191 = tpu.memref_slice %arg8[%dma_wait3A_189, %dma_wait3A_190] : memref<64x144xf32, #tpu.memory_space<vmem>> -> memref<64x144xf32, #tpu.memory_space<vmem>>
      %dma_wait3A_192 = arith.constant 0 : i32
      %dma_wait3A_193 = tpu.memref_slice %arg14[%add3A_22, %dma_wait3A_192] : memref<10000x144xf32, #tpu.memory_space<vmem_shared>> -> memref<64x144xf32, #tpu.memory_space<vmem_shared>>
      %dma_wait3A_194 = arith.constant 0 : i32
      %dma_wait3A_195 = tpu.memref_slice %arg14[%add3A_22, %dma_wait3A_194] : memref<10000x144xf32, #tpu.memory_space<vmem_shared>> -> memref<64x144xf32, #tpu.memory_space<vmem_shared>>
      %dma_wait3A_196 = arith.constant 0 : i32
      %dma_wait3A_197 = arith.constant 0 : i32
      %dma_wait3A_198 = tpu.memref_slice %arg8[%dma_wait3A_196, %dma_wait3A_197] : memref<64x144xf32, #tpu.memory_space<vmem>> -> memref<64x144xf32, #tpu.memory_space<vmem>>
      tpu.wait_dma2 semaphore(%run_scoped3A : memref<!tpu.dma_semaphore, #tpu.memory_space<semaphore_mem>>) src(%dma_wait3A_198 : memref<64x144xf32, #tpu.memory_space<vmem>>) dst(%dma_wait3A_195 : memref<64x144xf32, #tpu.memory_space<vmem_shared>>)
      tpu.yield
    }) : () -> ()
    %mul3A_23 = arith.constant 500 : i32
    %mul3A_24 = arith.muli %arg1, %mul3A_23 : i32
    %add3A_25 = arith.constant 64 : i32
    %add3A_26 = arith.addi %mul3A_24, %add3A_25 : i32
    "tpu.region"() ({
      %run_scoped3A = tpu.sem_alloc : memref<!tpu.dma_semaphore, #tpu.memory_space<semaphore_mem>>
      %dma_start3A_179 = arith.constant 0 : i32
      %dma_start3A_180 = arith.constant 0 : i32
      %dma_start3A_181 = tpu.memref_slice %arg8[%dma_start3A_179, %dma_start3A_180] : memref<64x144xf32, #tpu.memory_space<vmem>> -> memref<64x144xf32, #tpu.memory_space<vmem>>
      %dma_start3A_182 = arith.constant 0 : i32
      %dma_start3A_183 = tpu.memref_slice %arg14[%add3A_26, %dma_start3A_182] : memref<10000x144xf32, #tpu.memory_space<vmem_shared>> -> memref<64x144xf32, #tpu.memory_space<vmem_shared>>
      %dma_start3A_184 = arith.constant 0 : i32
      %dma_start3A_185 = tpu.memref_slice %arg14[%add3A_26, %dma_start3A_184] : memref<10000x144xf32, #tpu.memory_space<vmem_shared>> -> memref<64x144xf32, #tpu.memory_space<vmem_shared>>
      %dma_start3A_186 = arith.constant 0 : i32
      %dma_start3A_187 = arith.constant 0 : i32
      %dma_start3A_188 = tpu.memref_slice %arg8[%dma_start3A_186, %dma_start3A_187] : memref<64x144xf32, #tpu.memory_space<vmem>> -> memref<64x144xf32, #tpu.memory_space<vmem>>
      tpu.enqueue_dma source(%dma_start3A_188 : memref<64x144xf32, #tpu.memory_space<vmem>>) target(%dma_start3A_185 : memref<64x144xf32, #tpu.memory_space<vmem_shared>>) target_semaphore(%run_scoped3A : memref<!tpu.dma_semaphore, #tpu.memory_space<semaphore_mem>>)
      %dma_wait3A_189 = arith.constant 0 : i32
      %dma_wait3A_190 = arith.constant 0 : i32
      %dma_wait3A_191 = tpu.memref_slice %arg8[%dma_wait3A_189, %dma_wait3A_190] : memref<64x144xf32, #tpu.memory_space<vmem>> -> memref<64x144xf32, #tpu.memory_space<vmem>>
      %dma_wait3A_192 = arith.constant 0 : i32
      %dma_wait3A_193 = tpu.memref_slice %arg14[%add3A_26, %dma_wait3A_192] : memref<10000x144xf32, #tpu.memory_space<vmem_shared>> -> memref<64x144xf32, #tpu.memory_space<vmem_shared>>
      %dma_wait3A_194 = arith.constant 0 : i32
      %dma_wait3A_195 = tpu.memref_slice %arg14[%add3A_26, %dma_wait3A_194] : memref<10000x144xf32, #tpu.memory_space<vmem_shared>> -> memref<64x144xf32, #tpu.memory_space<vmem_shared>>
      %dma_wait3A_196 = arith.constant 0 : i32
      %dma_wait3A_197 = arith.constant 0 : i32
      %dma_wait3A_198 = tpu.memref_slice %arg8[%dma_wait3A_196, %dma_wait3A_197] : memref<64x144xf32, #tpu.memory_space<vmem>> -> memref<64x144xf32, #tpu.memory_space<vmem>>
      tpu.wait_dma2 semaphore(%run_scoped3A : memref<!tpu.dma_semaphore, #tpu.memory_space<semaphore_mem>>) src(%dma_wait3A_198 : memref<64x144xf32, #tpu.memory_space<vmem>>) dst(%dma_wait3A_195 : memref<64x144xf32, #tpu.memory_space<vmem_shared>>)
      tpu.yield
    }) : () -> ()
    %mul3A_27 = arith.constant 500 : i32
    %mul3A_28 = arith.muli %arg1, %mul3A_27 : i32
    %add3A_29 = arith.constant 128 : i32
    %add3A_30 = arith.addi %mul3A_28, %add3A_29 : i32
    "tpu.region"() ({
      %run_scoped3A = tpu.sem_alloc : memref<!tpu.dma_semaphore, #tpu.memory_space<semaphore_mem>>
      %dma_start3A_179 = arith.constant 0 : i32
      %dma_start3A_180 = arith.constant 0 : i32
      %dma_start3A_181 = tpu.memref_slice %arg8[%dma_start3A_179, %dma_start3A_180] : memref<64x144xf32, #tpu.memory_space<vmem>> -> memref<64x144xf32, #tpu.memory_space<vmem>>
      %dma_start3A_182 = arith.constant 0 : i32
      %dma_start3A_183 = tpu.memref_slice %arg14[%add3A_30, %dma_start3A_182] : memref<10000x144xf32, #tpu.memory_space<vmem_shared>> -> memref<64x144xf32, #tpu.memory_space<vmem_shared>>
      %dma_start3A_184 = arith.constant 0 : i32
      %dma_start3A_185 = tpu.memref_slice %arg14[%add3A_30, %dma_start3A_184] : memref<10000x144xf32, #tpu.memory_space<vmem_shared>> -> memref<64x144xf32, #tpu.memory_space<vmem_shared>>
      %dma_start3A_186 = arith.constant 0 : i32
      %dma_start3A_187 = arith.constant 0 : i32
      %dma_start3A_188 = tpu.memref_slice %arg8[%dma_start3A_186, %dma_start3A_187] : memref<64x144xf32, #tpu.memory_space<vmem>> -> memref<64x144xf32, #tpu.memory_space<vmem>>
      tpu.enqueue_dma source(%dma_start3A_188 : memref<64x144xf32, #tpu.memory_space<vmem>>) target(%dma_start3A_185 : memref<64x144xf32, #tpu.memory_space<vmem_shared>>) target_semaphore(%run_scoped3A : memref<!tpu.dma_semaphore, #tpu.memory_space<semaphore_mem>>)
      %dma_wait3A_189 = arith.constant 0 : i32
      %dma_wait3A_190 = arith.constant 0 : i32
      %dma_wait3A_191 = tpu.memref_slice %arg8[%dma_wait3A_189, %dma_wait3A_190] : memref<64x144xf32, #tpu.memory_space<vmem>> -> memref<64x144xf32, #tpu.memory_space<vmem>>
      %dma_wait3A_192 = arith.constant 0 : i32
      %dma_wait3A_193 = tpu.memref_slice %arg14[%add3A_30, %dma_wait3A_192] : memref<10000x144xf32, #tpu.memory_space<vmem_shared>> -> memref<64x144xf32, #tpu.memory_space<vmem_shared>>
      %dma_wait3A_194 = arith.constant 0 : i32
      %dma_wait3A_195 = tpu.memref_slice %arg14[%add3A_30, %dma_wait3A_194] : memref<10000x144xf32, #tpu.memory_space<vmem_shared>> -> memref<64x144xf32, #tpu.memory_space<vmem_shared>>
      %dma_wait3A_196 = arith.constant 0 : i32
      %dma_wait3A_197 = arith.constant 0 : i32
      %dma_wait3A_198 = tpu.memref_slice %arg8[%dma_wait3A_196, %dma_wait3A_197] : memref<64x144xf32, #tpu.memory_space<vmem>> -> memref<64x144xf32, #tpu.memory_space<vmem>>
      tpu.wait_dma2 semaphore(%run_scoped3A : memref<!tpu.dma_semaphore, #tpu.memory_space<semaphore_mem>>) src(%dma_wait3A_198 : memref<64x144xf32, #tpu.memory_space<vmem>>) dst(%dma_wait3A_195 : memref<64x144xf32, #tpu.memory_space<vmem_shared>>)
      tpu.yield
    }) : () -> ()
    %mul3A_31 = arith.constant 500 : i32
    %mul3A_32 = arith.muli %arg1, %mul3A_31 : i32
    %add3A_33 = arith.constant 192 : i32
    %add3A_34 = arith.addi %mul3A_32, %add3A_33 : i32
    "tpu.region"() ({
      %run_scoped3A = tpu.sem_alloc : memref<!tpu.dma_semaphore, #tpu.memory_space<semaphore_mem>>
      %dma_start3A_179 = arith.constant 0 : i32
      %dma_start3A_180 = arith.constant 0 : i32
      %dma_start3A_181 = tpu.memref_slice %arg8[%dma_start3A_179, %dma_start3A_180] : memref<64x144xf32, #tpu.memory_space<vmem>> -> memref<64x144xf32, #tpu.memory_space<vmem>>
      %dma_start3A_182 = arith.constant 0 : i32
      %dma_start3A_183 = tpu.memref_slice %arg14[%add3A_34, %dma_start3A_182] : memref<10000x144xf32, #tpu.memory_space<vmem_shared>> -> memref<64x144xf32, #tpu.memory_space<vmem_shared>>
      %dma_start3A_184 = arith.constant 0 : i32
      %dma_start3A_185 = tpu.memref_slice %arg14[%add3A_34, %dma_start3A_184] : memref<10000x144xf32, #tpu.memory_space<vmem_shared>> -> memref<64x144xf32, #tpu.memory_space<vmem_shared>>
      %dma_start3A_186 = arith.constant 0 : i32
      %dma_start3A_187 = arith.constant 0 : i32
      %dma_start3A_188 = tpu.memref_slice %arg8[%dma_start3A_186, %dma_start3A_187] : memref<64x144xf32, #tpu.memory_space<vmem>> -> memref<64x144xf32, #tpu.memory_space<vmem>>
      tpu.enqueue_dma source(%dma_start3A_188 : memref<64x144xf32, #tpu.memory_space<vmem>>) target(%dma_start3A_185 : memref<64x144xf32, #tpu.memory_space<vmem_shared>>) target_semaphore(%run_scoped3A : memref<!tpu.dma_semaphore, #tpu.memory_space<semaphore_mem>>)
      %dma_wait3A_189 = arith.constant 0 : i32
      %dma_wait3A_190 = arith.constant 0 : i32
      %dma_wait3A_191 = tpu.memref_slice %arg8[%dma_wait3A_189, %dma_wait3A_190] : memref<64x144xf32, #tpu.memory_space<vmem>> -> memref<64x144xf32, #tpu.memory_space<vmem>>
      %dma_wait3A_192 = arith.constant 0 : i32
      %dma_wait3A_193 = tpu.memref_slice %arg14[%add3A_34, %dma_wait3A_192] : memref<10000x144xf32, #tpu.memory_space<vmem_shared>> -> memref<64x144xf32, #tpu.memory_space<vmem_shared>>
      %dma_wait3A_194 = arith.constant 0 : i32
      %dma_wait3A_195 = tpu.memref_slice %arg14[%add3A_34, %dma_wait3A_194] : memref<10000x144xf32, #tpu.memory_space<vmem_shared>> -> memref<64x144xf32, #tpu.memory_space<vmem_shared>>
      %dma_wait3A_196 = arith.constant 0 : i32
      %dma_wait3A_197 = arith.constant 0 : i32
      %dma_wait3A_198 = tpu.memref_slice %arg8[%dma_wait3A_196, %dma_wait3A_197] : memref<64x144xf32, #tpu.memory_space<vmem>> -> memref<64x144xf32, #tpu.memory_space<vmem>>
      tpu.wait_dma2 semaphore(%run_scoped3A : memref<!tpu.dma_semaphore, #tpu.memory_space<semaphore_mem>>) src(%dma_wait3A_198 : memref<64x144xf32, #tpu.memory_space<vmem>>) dst(%dma_wait3A_195 : memref<64x144xf32, #tpu.memory_space<vmem_shared>>)
      tpu.yield
    }) : () -> ()
    %mul3A_35 = arith.constant 500 : i32
    %mul3A_36 = arith.muli %arg1, %mul3A_35 : i32
    %add3A_37 = arith.constant 256 : i32
    %add3A_38 = arith.addi %mul3A_36, %add3A_37 : i32
    "tpu.region"() ({
      %run_scoped3A = tpu.sem_alloc : memref<!tpu.dma_semaphore, #tpu.memory_space<semaphore_mem>>
      %dma_start3A_179 = arith.constant 0 : i32
      %dma_start3A_180 = arith.constant 0 : i32
      %dma_start3A_181 = tpu.memref_slice %arg8[%dma_start3A_179, %dma_start3A_180] : memref<64x144xf32, #tpu.memory_space<vmem>> -> memref<64x144xf32, #tpu.memory_space<vmem>>
      %dma_start3A_182 = arith.constant 0 : i32
      %dma_start3A_183 = tpu.memref_slice %arg14[%add3A_38, %dma_start3A_182] : memref<10000x144xf32, #tpu.memory_space<vmem_shared>> -> memref<64x144xf32, #tpu.memory_space<vmem_shared>>
      %dma_start3A_184 = arith.constant 0 : i32
      %dma_start3A_185 = tpu.memref_slice %arg14[%add3A_38, %dma_start3A_184] : memref<10000x144xf32, #tpu.memory_space<vmem_shared>> -> memref<64x144xf32, #tpu.memory_space<vmem_shared>>
      %dma_start3A_186 = arith.constant 0 : i32
      %dma_start3A_187 = arith.constant 0 : i32
      %dma_start3A_188 = tpu.memref_slice %arg8[%dma_start3A_186, %dma_start3A_187] : memref<64x144xf32, #tpu.memory_space<vmem>> -> memref<64x144xf32, #tpu.memory_space<vmem>>
      tpu.enqueue_dma source(%dma_start3A_188 : memref<64x144xf32, #tpu.memory_space<vmem>>) target(%dma_start3A_185 : memref<64x144xf32, #tpu.memory_space<vmem_shared>>) target_semaphore(%run_scoped3A : memref<!tpu.dma_semaphore, #tpu.memory_space<semaphore_mem>>)
      %dma_wait3A_189 = arith.constant 0 : i32
      %dma_wait3A_190 = arith.constant 0 : i32
      %dma_wait3A_191 = tpu.memref_slice %arg8[%dma_wait3A_189, %dma_wait3A_190] : memref<64x144xf32, #tpu.memory_space<vmem>> -> memref<64x144xf32, #tpu.memory_space<vmem>>
      %dma_wait3A_192 = arith.constant 0 : i32
      %dma_wait3A_193 = tpu.memref_slice %arg14[%add3A_38, %dma_wait3A_192] : memref<10000x144xf32, #tpu.memory_space<vmem_shared>> -> memref<64x144xf32, #tpu.memory_space<vmem_shared>>
      %dma_wait3A_194 = arith.constant 0 : i32
      %dma_wait3A_195 = tpu.memref_slice %arg14[%add3A_38, %dma_wait3A_194] : memref<10000x144xf32, #tpu.memory_space<vmem_shared>> -> memref<64x144xf32, #tpu.memory_space<vmem_shared>>
      %dma_wait3A_196 = arith.constant 0 : i32
      %dma_wait3A_197 = arith.constant 0 : i32
      %dma_wait3A_198 = tpu.memref_slice %arg8[%dma_wait3A_196, %dma_wait3A_197] : memref<64x144xf32, #tpu.memory_space<vmem>> -> memref<64x144xf32, #tpu.memory_space<vmem>>
      tpu.wait_dma2 semaphore(%run_scoped3A : memref<!tpu.dma_semaphore, #tpu.memory_space<semaphore_mem>>) src(%dma_wait3A_198 : memref<64x144xf32, #tpu.memory_space<vmem>>) dst(%dma_wait3A_195 : memref<64x144xf32, #tpu.memory_space<vmem_shared>>)
      tpu.yield
    }) : () -> ()
    %mul3A_39 = arith.constant 500 : i32
    %mul3A_40 = arith.muli %arg1, %mul3A_39 : i32
    %add3A_41 = arith.constant 320 : i32
    %add3A_42 = arith.addi %mul3A_40, %add3A_41 : i32
    "tpu.region"() ({
      %run_scoped3A = tpu.sem_alloc : memref<!tpu.dma_semaphore, #tpu.memory_space<semaphore_mem>>
      %dma_start3A_179 = arith.constant 0 : i32
      %dma_start3A_180 = arith.constant 0 : i32
      %dma_start3A_181 = tpu.memref_slice %arg8[%dma_start3A_179, %dma_start3A_180] : memref<64x144xf32, #tpu.memory_space<vmem>> -> memref<64x144xf32, #tpu.memory_space<vmem>>
      %dma_start3A_182 = arith.constant 0 : i32
      %dma_start3A_183 = tpu.memref_slice %arg14[%add3A_42, %dma_start3A_182] : memref<10000x144xf32, #tpu.memory_space<vmem_shared>> -> memref<64x144xf32, #tpu.memory_space<vmem_shared>>
      %dma_start3A_184 = arith.constant 0 : i32
      %dma_start3A_185 = tpu.memref_slice %arg14[%add3A_42, %dma_start3A_184] : memref<10000x144xf32, #tpu.memory_space<vmem_shared>> -> memref<64x144xf32, #tpu.memory_space<vmem_shared>>
      %dma_start3A_186 = arith.constant 0 : i32
      %dma_start3A_187 = arith.constant 0 : i32
      %dma_start3A_188 = tpu.memref_slice %arg8[%dma_start3A_186, %dma_start3A_187] : memref<64x144xf32, #tpu.memory_space<vmem>> -> memref<64x144xf32, #tpu.memory_space<vmem>>
      tpu.enqueue_dma source(%dma_start3A_188 : memref<64x144xf32, #tpu.memory_space<vmem>>) target(%dma_start3A_185 : memref<64x144xf32, #tpu.memory_space<vmem_shared>>) target_semaphore(%run_scoped3A : memref<!tpu.dma_semaphore, #tpu.memory_space<semaphore_mem>>)
      %dma_wait3A_189 = arith.constant 0 : i32
      %dma_wait3A_190 = arith.constant 0 : i32
      %dma_wait3A_191 = tpu.memref_slice %arg8[%dma_wait3A_189, %dma_wait3A_190] : memref<64x144xf32, #tpu.memory_space<vmem>> -> memref<64x144xf32, #tpu.memory_space<vmem>>
      %dma_wait3A_192 = arith.constant 0 : i32
      %dma_wait3A_193 = tpu.memref_slice %arg14[%add3A_42, %dma_wait3A_192] : memref<10000x144xf32, #tpu.memory_space<vmem_shared>> -> memref<64x144xf32, #tpu.memory_space<vmem_shared>>
      %dma_wait3A_194 = arith.constant 0 : i32
      %dma_wait3A_195 = tpu.memref_slice %arg14[%add3A_42, %dma_wait3A_194] : memref<10000x144xf32, #tpu.memory_space<vmem_shared>> -> memref<64x144xf32, #tpu.memory_space<vmem_shared>>
      %dma_wait3A_196 = arith.constant 0 : i32
      %dma_wait3A_197 = arith.constant 0 : i32
      %dma_wait3A_198 = tpu.memref_slice %arg8[%dma_wait3A_196, %dma_wait3A_197] : memref<64x144xf32, #tpu.memory_space<vmem>> -> memref<64x144xf32, #tpu.memory_space<vmem>>
      tpu.wait_dma2 semaphore(%run_scoped3A : memref<!tpu.dma_semaphore, #tpu.memory_space<semaphore_mem>>) src(%dma_wait3A_198 : memref<64x144xf32, #tpu.memory_space<vmem>>) dst(%dma_wait3A_195 : memref<64x144xf32, #tpu.memory_space<vmem_shared>>)
      tpu.yield
    }) : () -> ()
    %mul3A_43 = arith.constant 500 : i32
    %mul3A_44 = arith.muli %arg1, %mul3A_43 : i32
    %add3A_45 = arith.constant 384 : i32
    %add3A_46 = arith.addi %mul3A_44, %add3A_45 : i32
    "tpu.region"() ({
      %run_scoped3A = tpu.sem_alloc : memref<!tpu.dma_semaphore, #tpu.memory_space<semaphore_mem>>
      %dma_start3A_179 = arith.constant 0 : i32
      %dma_start3A_180 = arith.constant 0 : i32
      %dma_start3A_181 = tpu.memref_slice %arg8[%dma_start3A_179, %dma_start3A_180] : memref<64x144xf32, #tpu.memory_space<vmem>> -> memref<64x144xf32, #tpu.memory_space<vmem>>
      %dma_start3A_182 = arith.constant 0 : i32
      %dma_start3A_183 = tpu.memref_slice %arg14[%add3A_46, %dma_start3A_182] : memref<10000x144xf32, #tpu.memory_space<vmem_shared>> -> memref<64x144xf32, #tpu.memory_space<vmem_shared>>
      %dma_start3A_184 = arith.constant 0 : i32
      %dma_start3A_185 = tpu.memref_slice %arg14[%add3A_46, %dma_start3A_184] : memref<10000x144xf32, #tpu.memory_space<vmem_shared>> -> memref<64x144xf32, #tpu.memory_space<vmem_shared>>
      %dma_start3A_186 = arith.constant 0 : i32
      %dma_start3A_187 = arith.constant 0 : i32
      %dma_start3A_188 = tpu.memref_slice %arg8[%dma_start3A_186, %dma_start3A_187] : memref<64x144xf32, #tpu.memory_space<vmem>> -> memref<64x144xf32, #tpu.memory_space<vmem>>
      tpu.enqueue_dma source(%dma_start3A_188 : memref<64x144xf32, #tpu.memory_space<vmem>>) target(%dma_start3A_185 : memref<64x144xf32, #tpu.memory_space<vmem_shared>>) target_semaphore(%run_scoped3A : memref<!tpu.dma_semaphore, #tpu.memory_space<semaphore_mem>>)
      %dma_wait3A_189 = arith.constant 0 : i32
      %dma_wait3A_190 = arith.constant 0 : i32
      %dma_wait3A_191 = tpu.memref_slice %arg8[%dma_wait3A_189, %dma_wait3A_190] : memref<64x144xf32, #tpu.memory_space<vmem>> -> memref<64x144xf32, #tpu.memory_space<vmem>>
      %dma_wait3A_192 = arith.constant 0 : i32
      %dma_wait3A_193 = tpu.memref_slice %arg14[%add3A_46, %dma_wait3A_192] : memref<10000x144xf32, #tpu.memory_space<vmem_shared>> -> memref<64x144xf32, #tpu.memory_space<vmem_shared>>
      %dma_wait3A_194 = arith.constant 0 : i32
      %dma_wait3A_195 = tpu.memref_slice %arg14[%add3A_46, %dma_wait3A_194] : memref<10000x144xf32, #tpu.memory_space<vmem_shared>> -> memref<64x144xf32, #tpu.memory_space<vmem_shared>>
      %dma_wait3A_196 = arith.constant 0 : i32
      %dma_wait3A_197 = arith.constant 0 : i32
      %dma_wait3A_198 = tpu.memref_slice %arg8[%dma_wait3A_196, %dma_wait3A_197] : memref<64x144xf32, #tpu.memory_space<vmem>> -> memref<64x144xf32, #tpu.memory_space<vmem>>
      tpu.wait_dma2 semaphore(%run_scoped3A : memref<!tpu.dma_semaphore, #tpu.memory_space<semaphore_mem>>) src(%dma_wait3A_198 : memref<64x144xf32, #tpu.memory_space<vmem>>) dst(%dma_wait3A_195 : memref<64x144xf32, #tpu.memory_space<vmem_shared>>)
      tpu.yield
    }) : () -> ()
    %mul3A_47 = arith.constant 500 : i32
    %mul3A_48 = arith.muli %arg1, %mul3A_47 : i32
    %add3A_49 = arith.constant 448 : i32
    %add3A_50 = arith.addi %mul3A_48, %add3A_49 : i32
    "tpu.region"() ({
      %run_scoped3A = tpu.sem_alloc : memref<!tpu.dma_semaphore, #tpu.memory_space<semaphore_mem>>
      %dma_start3A_179 = arith.constant 0 : i32
      %dma_start3A_180 = arith.constant 0 : i32
      %dma_start3A_181 = tpu.memref_slice %arg8[%dma_start3A_179, %dma_start3A_180] : memref<64x144xf32, #tpu.memory_space<vmem>> -> memref<52x144xf32, #tpu.memory_space<vmem>>
      %dma_start3A_182 = arith.constant 0 : i32
      %dma_start3A_183 = tpu.memref_slice %arg14[%add3A_50, %dma_start3A_182] : memref<10000x144xf32, #tpu.memory_space<vmem_shared>> -> memref<52x144xf32, #tpu.memory_space<vmem_shared>>
      %dma_start3A_184 = arith.constant 0 : i32
      %dma_start3A_185 = tpu.memref_slice %arg14[%add3A_50, %dma_start3A_184] : memref<10000x144xf32, #tpu.memory_space<vmem_shared>> -> memref<52x144xf32, #tpu.memory_space<vmem_shared>>
      %dma_start3A_186 = arith.constant 0 : i32
      %dma_start3A_187 = arith.constant 0 : i32
      %dma_start3A_188 = tpu.memref_slice %arg8[%dma_start3A_186, %dma_start3A_187] : memref<64x144xf32, #tpu.memory_space<vmem>> -> memref<52x144xf32, #tpu.memory_space<vmem>>
      tpu.enqueue_dma source(%dma_start3A_188 : memref<52x144xf32, #tpu.memory_space<vmem>>) target(%dma_start3A_185 : memref<52x144xf32, #tpu.memory_space<vmem_shared>>) target_semaphore(%run_scoped3A : memref<!tpu.dma_semaphore, #tpu.memory_space<semaphore_mem>>)
      %dma_wait3A_189 = arith.constant 0 : i32
      %dma_wait3A_190 = arith.constant 0 : i32
      %dma_wait3A_191 = tpu.memref_slice %arg8[%dma_wait3A_189, %dma_wait3A_190] : memref<64x144xf32, #tpu.memory_space<vmem>> -> memref<52x144xf32, #tpu.memory_space<vmem>>
      %dma_wait3A_192 = arith.constant 0 : i32
      %dma_wait3A_193 = tpu.memref_slice %arg14[%add3A_50, %dma_wait3A_192] : memref<10000x144xf32, #tpu.memory_space<vmem_shared>> -> memref<52x144xf32, #tpu.memory_space<vmem_shared>>
      %dma_wait3A_194 = arith.constant 0 : i32
      %dma_wait3A_195 = tpu.memref_slice %arg14[%add3A_50, %dma_wait3A_194] : memref<10000x144xf32, #tpu.memory_space<vmem_shared>> -> memref<52x144xf32, #tpu.memory_space<vmem_shared>>
      %dma_wait3A_196 = arith.constant 0 : i32
      %dma_wait3A_197 = arith.constant 0 : i32
      %dma_wait3A_198 = tpu.memref_slice %arg8[%dma_wait3A_196, %dma_wait3A_197] : memref<64x144xf32, #tpu.memory_space<vmem>> -> memref<52x144xf32, #tpu.memory_space<vmem>>
      tpu.wait_dma2 semaphore(%run_scoped3A : memref<!tpu.dma_semaphore, #tpu.memory_space<semaphore_mem>>) src(%dma_wait3A_198 : memref<52x144xf32, #tpu.memory_space<vmem>>) dst(%dma_wait3A_195 : memref<52x144xf32, #tpu.memory_space<vmem_shared>>)
      tpu.yield
    }) : () -> ()
    %mul3A_51 = arith.constant 125 : i32
    %mul3A_52 = arith.muli %arg1, %mul3A_51 : i32
    %add3A_53 = arith.constant 0 : i32
    %add3A_54 = arith.addi %mul3A_52, %add3A_53 : i32
    "tpu.region"() ({
      %run_scoped3A = tpu.sem_alloc : memref<!tpu.dma_semaphore, #tpu.memory_space<semaphore_mem>>
      %dma_start3A_179 = arith.constant 0 : i32
      %dma_start3A_180 = arith.constant 0 : i32
      %dma_start3A_181 = tpu.memref_slice %arg8[%dma_start3A_179, %dma_start3A_180] : memref<64x144xf32, #tpu.memory_space<vmem>> -> memref<64x144xf32, #tpu.memory_space<vmem>>
      %dma_start3A_182 = arith.constant 0 : i32
      %dma_start3A_183 = tpu.memref_slice %arg2[%add3A_54, %dma_start3A_182] : memref<2000x144xf32, #tpu.memory_space<hbm>> -> memref<64x144xf32, #tpu.memory_space<hbm>>
      %dma_start3A_184 = arith.constant 0 : i32
      %dma_start3A_185 = arith.constant 0 : i32
      %dma_start3A_186 = tpu.memref_slice %arg8[%dma_start3A_184, %dma_start3A_185] : memref<64x144xf32, #tpu.memory_space<vmem>> -> memref<64x144xf32, #tpu.memory_space<vmem>>
      %dma_start3A_187 = arith.constant 0 : i32
      %dma_start3A_188 = tpu.memref_slice %arg2[%add3A_54, %dma_start3A_187] : memref<2000x144xf32, #tpu.memory_space<hbm>> -> memref<64x144xf32, #tpu.memory_space<hbm>>
      tpu.enqueue_dma source(%dma_start3A_188 : memref<64x144xf32, #tpu.memory_space<hbm>>) target(%dma_start3A_186 : memref<64x144xf32, #tpu.memory_space<vmem>>) target_semaphore(%run_scoped3A : memref<!tpu.dma_semaphore, #tpu.memory_space<semaphore_mem>>)
      %dma_wait3A_189 = arith.constant 0 : i32
      %dma_wait3A_190 = arith.constant 0 : i32
      %dma_wait3A_191 = tpu.memref_slice %arg8[%dma_wait3A_189, %dma_wait3A_190] : memref<64x144xf32, #tpu.memory_space<vmem>> -> memref<64x144xf32, #tpu.memory_space<vmem>>
      %dma_wait3A_192 = arith.constant 0 : i32
      %dma_wait3A_193 = tpu.memref_slice %arg2[%add3A_54, %dma_wait3A_192] : memref<2000x144xf32, #tpu.memory_space<hbm>> -> memref<64x144xf32, #tpu.memory_space<hbm>>
      %dma_wait3A_194 = arith.constant 0 : i32
      %dma_wait3A_195 = arith.constant 0 : i32
      %dma_wait3A_196 = tpu.memref_slice %arg8[%dma_wait3A_194, %dma_wait3A_195] : memref<64x144xf32, #tpu.memory_space<vmem>> -> memref<64x144xf32, #tpu.memory_space<vmem>>
      %dma_wait3A_197 = arith.constant 0 : i32
      %dma_wait3A_198 = tpu.memref_slice %arg2[%add3A_54, %dma_wait3A_197] : memref<2000x144xf32, #tpu.memory_space<hbm>> -> memref<64x144xf32, #tpu.memory_space<hbm>>
      tpu.wait_dma2 semaphore(%run_scoped3A : memref<!tpu.dma_semaphore, #tpu.memory_space<semaphore_mem>>) src(%dma_wait3A_198 : memref<64x144xf32, #tpu.memory_space<hbm>>) dst(%dma_wait3A_196 : memref<64x144xf32, #tpu.memory_space<vmem>>)
      tpu.yield
    }) : () -> ()
    %mul3A_55 = arith.constant 125 : i32
    %mul3A_56 = arith.muli %arg1, %mul3A_55 : i32
    %add3A_57 = arith.constant 8000 : i32
    %add3A_58 = arith.addi %add3A_57, %mul3A_56 : i32
    %add3A_59 = arith.constant 0 : i32
    %add3A_60 = arith.addi %add3A_58, %add3A_59 : i32
    "tpu.region"() ({
      %run_scoped3A = tpu.sem_alloc : memref<!tpu.dma_semaphore, #tpu.memory_space<semaphore_mem>>
      %dma_start3A_179 = arith.constant 0 : i32
      %dma_start3A_180 = arith.constant 0 : i32
      %dma_start3A_181 = tpu.memref_slice %arg8[%dma_start3A_179, %dma_start3A_180] : memref<64x144xf32, #tpu.memory_space<vmem>> -> memref<64x144xf32, #tpu.memory_space<vmem>>
      %dma_start3A_182 = arith.constant 0 : i32
      %dma_start3A_183 = tpu.memref_slice %arg14[%add3A_60, %dma_start3A_182] : memref<10000x144xf32, #tpu.memory_space<vmem_shared>> -> memref<64x144xf32, #tpu.memory_space<vmem_shared>>
      %dma_start3A_184 = arith.constant 0 : i32
      %dma_start3A_185 = tpu.memref_slice %arg14[%add3A_60, %dma_start3A_184] : memref<10000x144xf32, #tpu.memory_space<vmem_shared>> -> memref<64x144xf32, #tpu.memory_space<vmem_shared>>
      %dma_start3A_186 = arith.constant 0 : i32
      %dma_start3A_187 = arith.constant 0 : i32
      %dma_start3A_188 = tpu.memref_slice %arg8[%dma_start3A_186, %dma_start3A_187] : memref<64x144xf32, #tpu.memory_space<vmem>> -> memref<64x144xf32, #tpu.memory_space<vmem>>
      tpu.enqueue_dma source(%dma_start3A_188 : memref<64x144xf32, #tpu.memory_space<vmem>>) target(%dma_start3A_185 : memref<64x144xf32, #tpu.memory_space<vmem_shared>>) target_semaphore(%run_scoped3A : memref<!tpu.dma_semaphore, #tpu.memory_space<semaphore_mem>>)
      %dma_wait3A_189 = arith.constant 0 : i32
      %dma_wait3A_190 = arith.constant 0 : i32
      %dma_wait3A_191 = tpu.memref_slice %arg8[%dma_wait3A_189, %dma_wait3A_190] : memref<64x144xf32, #tpu.memory_space<vmem>> -> memref<64x144xf32, #tpu.memory_space<vmem>>
      %dma_wait3A_192 = arith.constant 0 : i32
      %dma_wait3A_193 = tpu.memref_slice %arg14[%add3A_60, %dma_wait3A_192] : memref<10000x144xf32, #tpu.memory_space<vmem_shared>> -> memref<64x144xf32, #tpu.memory_space<vmem_shared>>
      %dma_wait3A_194 = arith.constant 0 : i32
      %dma_wait3A_195 = tpu.memref_slice %arg14[%add3A_60, %dma_wait3A_194] : memref<10000x144xf32, #tpu.memory_space<vmem_shared>> -> memref<64x144xf32, #tpu.memory_space<vmem_shared>>
      %dma_wait3A_196 = arith.constant 0 : i32
      %dma_wait3A_197 = arith.constant 0 : i32
      %dma_wait3A_198 = tpu.memref_slice %arg8[%dma_wait3A_196, %dma_wait3A_197] : memref<64x144xf32, #tpu.memory_space<vmem>> -> memref<64x144xf32, #tpu.memory_space<vmem>>
      tpu.wait_dma2 semaphore(%run_scoped3A : memref<!tpu.dma_semaphore, #tpu.memory_space<semaphore_mem>>) src(%dma_wait3A_198 : memref<64x144xf32, #tpu.memory_space<vmem>>) dst(%dma_wait3A_195 : memref<64x144xf32, #tpu.memory_space<vmem_shared>>)
      tpu.yield
    }) : () -> ()
    %mul3A_61 = arith.constant 125 : i32
    %mul3A_62 = arith.muli %arg1, %mul3A_61 : i32
    %add3A_63 = arith.constant 64 : i32
    %add3A_64 = arith.addi %mul3A_62, %add3A_63 : i32
    "tpu.region"() ({
      %run_scoped3A = tpu.sem_alloc : memref<!tpu.dma_semaphore, #tpu.memory_space<semaphore_mem>>
      %dma_start3A_179 = arith.constant 0 : i32
      %dma_start3A_180 = arith.constant 0 : i32
      %dma_start3A_181 = tpu.memref_slice %arg8[%dma_start3A_179, %dma_start3A_180] : memref<64x144xf32, #tpu.memory_space<vmem>> -> memref<61x144xf32, #tpu.memory_space<vmem>>
      %dma_start3A_182 = arith.constant 0 : i32
      %dma_start3A_183 = tpu.memref_slice %arg2[%add3A_64, %dma_start3A_182] : memref<2000x144xf32, #tpu.memory_space<hbm>> -> memref<61x144xf32, #tpu.memory_space<hbm>>
      %dma_start3A_184 = arith.constant 0 : i32
      %dma_start3A_185 = arith.constant 0 : i32
      %dma_start3A_186 = tpu.memref_slice %arg8[%dma_start3A_184, %dma_start3A_185] : memref<64x144xf32, #tpu.memory_space<vmem>> -> memref<61x144xf32, #tpu.memory_space<vmem>>
      %dma_start3A_187 = arith.constant 0 : i32
      %dma_start3A_188 = tpu.memref_slice %arg2[%add3A_64, %dma_start3A_187] : memref<2000x144xf32, #tpu.memory_space<hbm>> -> memref<61x144xf32, #tpu.memory_space<hbm>>
      tpu.enqueue_dma source(%dma_start3A_188 : memref<61x144xf32, #tpu.memory_space<hbm>>) target(%dma_start3A_186 : memref<61x144xf32, #tpu.memory_space<vmem>>) target_semaphore(%run_scoped3A : memref<!tpu.dma_semaphore, #tpu.memory_space<semaphore_mem>>)
      %dma_wait3A_189 = arith.constant 0 : i32
      %dma_wait3A_190 = arith.constant 0 : i32
      %dma_wait3A_191 = tpu.memref_slice %arg8[%dma_wait3A_189, %dma_wait3A_190] : memref<64x144xf32, #tpu.memory_space<vmem>> -> memref<61x144xf32, #tpu.memory_space<vmem>>
      %dma_wait3A_192 = arith.constant 0 : i32
      %dma_wait3A_193 = tpu.memref_slice %arg2[%add3A_64, %dma_wait3A_192] : memref<2000x144xf32, #tpu.memory_space<hbm>> -> memref<61x144xf32, #tpu.memory_space<hbm>>
      %dma_wait3A_194 = arith.constant 0 : i32
      %dma_wait3A_195 = arith.constant 0 : i32
      %dma_wait3A_196 = tpu.memref_slice %arg8[%dma_wait3A_194, %dma_wait3A_195] : memref<64x144xf32, #tpu.memory_space<vmem>> -> memref<61x144xf32, #tpu.memory_space<vmem>>
      %dma_wait3A_197 = arith.constant 0 : i32
      %dma_wait3A_198 = tpu.memref_slice %arg2[%add3A_64, %dma_wait3A_197] : memref<2000x144xf32, #tpu.memory_space<hbm>> -> memref<61x144xf32, #tpu.memory_space<hbm>>
      tpu.wait_dma2 semaphore(%run_scoped3A : memref<!tpu.dma_semaphore, #tpu.memory_space<semaphore_mem>>) src(%dma_wait3A_198 : memref<61x144xf32, #tpu.memory_space<hbm>>) dst(%dma_wait3A_196 : memref<61x144xf32, #tpu.memory_space<vmem>>)
      tpu.yield
    }) : () -> ()
    %mul3A_65 = arith.constant 125 : i32
    %mul3A_66 = arith.muli %arg1, %mul3A_65 : i32
    %add3A_67 = arith.constant 8000 : i32
    %add3A_68 = arith.addi %add3A_67, %mul3A_66 : i32
    %add3A_69 = arith.constant 64 : i32
    %add3A_70 = arith.addi %add3A_68, %add3A_69 : i32
    "tpu.region"() ({
      %run_scoped3A = tpu.sem_alloc : memref<!tpu.dma_semaphore, #tpu.memory_space<semaphore_mem>>
      %dma_start3A_179 = arith.constant 0 : i32
      %dma_start3A_180 = arith.constant 0 : i32
      %dma_start3A_181 = tpu.memref_slice %arg8[%dma_start3A_179, %dma_start3A_180] : memref<64x144xf32, #tpu.memory_space<vmem>> -> memref<61x144xf32, #tpu.memory_space<vmem>>
      %dma_start3A_182 = arith.constant 0 : i32
      %dma_start3A_183 = tpu.memref_slice %arg14[%add3A_70, %dma_start3A_182] : memref<10000x144xf32, #tpu.memory_space<vmem_shared>> -> memref<61x144xf32, #tpu.memory_space<vmem_shared>>
      %dma_start3A_184 = arith.constant 0 : i32
      %dma_start3A_185 = tpu.memref_slice %arg14[%add3A_70, %dma_start3A_184] : memref<10000x144xf32, #tpu.memory_space<vmem_shared>> -> memref<61x144xf32, #tpu.memory_space<vmem_shared>>
      %dma_start3A_186 = arith.constant 0 : i32
      %dma_start3A_187 = arith.constant 0 : i32
      %dma_start3A_188 = tpu.memref_slice %arg8[%dma_start3A_186, %dma_start3A_187] : memref<64x144xf32, #tpu.memory_space<vmem>> -> memref<61x144xf32, #tpu.memory_space<vmem>>
      tpu.enqueue_dma source(%dma_start3A_188 : memref<61x144xf32, #tpu.memory_space<vmem>>) target(%dma_start3A_185 : memref<61x144xf32, #tpu.memory_space<vmem_shared>>) target_semaphore(%run_scoped3A : memref<!tpu.dma_semaphore, #tpu.memory_space<semaphore_mem>>)
      %dma_wait3A_189 = arith.constant 0 : i32
      %dma_wait3A_190 = arith.constant 0 : i32
      %dma_wait3A_191 = tpu.memref_slice %arg8[%dma_wait3A_189, %dma_wait3A_190] : memref<64x144xf32, #tpu.memory_space<vmem>> -> memref<61x144xf32, #tpu.memory_space<vmem>>
      %dma_wait3A_192 = arith.constant 0 : i32
      %dma_wait3A_193 = tpu.memref_slice %arg14[%add3A_70, %dma_wait3A_192] : memref<10000x144xf32, #tpu.memory_space<vmem_shared>> -> memref<61x144xf32, #tpu.memory_space<vmem_shared>>
      %dma_wait3A_194 = arith.constant 0 : i32
      %dma_wait3A_195 = tpu.memref_slice %arg14[%add3A_70, %dma_wait3A_194] : memref<10000x144xf32, #tpu.memory_space<vmem_shared>> -> memref<61x144xf32, #tpu.memory_space<vmem_shared>>
      %dma_wait3A_196 = arith.constant 0 : i32
      %dma_wait3A_197 = arith.constant 0 : i32
      %dma_wait3A_198 = tpu.memref_slice %arg8[%dma_wait3A_196, %dma_wait3A_197] : memref<64x144xf32, #tpu.memory_space<vmem>> -> memref<61x144xf32, #tpu.memory_space<vmem>>
      tpu.wait_dma2 semaphore(%run_scoped3A : memref<!tpu.dma_semaphore, #tpu.memory_space<semaphore_mem>>) src(%dma_wait3A_198 : memref<61x144xf32, #tpu.memory_space<vmem>>) dst(%dma_wait3A_195 : memref<61x144xf32, #tpu.memory_space<vmem_shared>>)
      tpu.yield
    }) : () -> ()
    %mul3A_71 = arith.constant 10000 : i32
    %mul3A_72 = arith.muli %add3A, %mul3A_71 : i32
    %dma_wait3A = arith.constant 0 : i32
    %dma_wait3A_73 = tpu.memref_slice %arg3[%dma_wait3A, %mul3A_72] : memref<2x320000xi32, #tpu.memory_space<hbm>> -> memref<1x10000xi32, #tpu.memory_space<hbm>>
    %dma_wait3A_74 = tpu.memref_squeeze %dma_wait3A_73 : memref<1x10000xi32, #tpu.memory_space<hbm>> -> memref<10000xi32, #tpu.memory_space<hbm>>
    %dma_wait3A_75 = tpu.memref_slice %arg3[%dma_wait3A, %mul3A_72] : memref<2x320000xi32, #tpu.memory_space<hbm>> -> memref<1x10000xi32, #tpu.memory_space<hbm>>
    %dma_wait3A_76 = tpu.memref_squeeze %dma_wait3A_75 : memref<1x10000xi32, #tpu.memory_space<hbm>> -> memref<10000xi32, #tpu.memory_space<hbm>>
    tpu.wait_dma2 semaphore(%arg10 : memref<!tpu.dma_semaphore, #tpu.memory_space<semaphore_mem>>) src(%dma_wait3A_76 : memref<10000xi32, #tpu.memory_space<hbm>>) dst(%arg6 : memref<10000xi32, #tpu.memory_space<vmem>>)
    %mul3A_77 = arith.constant 10000 : i32
    %mul3A_78 = arith.muli %add3A, %mul3A_77 : i32
    %dma_wait3A_79 = arith.constant 1 : i32
    %dma_wait3A_80 = tpu.memref_slice %arg3[%dma_wait3A_79, %mul3A_78] : memref<2x320000xi32, #tpu.memory_space<hbm>> -> memref<1x10000xi32, #tpu.memory_space<hbm>>
    %dma_wait3A_81 = tpu.memref_squeeze %dma_wait3A_80 : memref<1x10000xi32, #tpu.memory_space<hbm>> -> memref<10000xi32, #tpu.memory_space<hbm>>
    %dma_wait3A_82 = tpu.memref_slice %arg3[%dma_wait3A_79, %mul3A_78] : memref<2x320000xi32, #tpu.memory_space<hbm>> -> memref<1x10000xi32, #tpu.memory_space<hbm>>
    %dma_wait3A_83 = tpu.memref_squeeze %dma_wait3A_82 : memref<1x10000xi32, #tpu.memory_space<hbm>> -> memref<10000xi32, #tpu.memory_space<hbm>>
    tpu.wait_dma2 semaphore(%arg11 : memref<!tpu.dma_semaphore, #tpu.memory_space<semaphore_mem>>) src(%dma_wait3A_83 : memref<10000xi32, #tpu.memory_space<hbm>>) dst(%arg7 : memref<10000xi32, #tpu.memory_space<vmem>>)
    %barrier3A = arith.constant 0 : index
    tpu.barrier barrier_id(%barrier3A)
    %dma_start3A_84 = arith.constant 0 : i32
    %dma_start3A_85 = tpu.memref_slice %arg7[%dma_start3A_84] : memref<10000xi32, #tpu.memory_space<vmem>> -> memref<64xi32, #tpu.memory_space<vmem>>
    %dma_start3A_86 = arith.constant 0 : i32
    %dma_start3A_87 = arith.constant 0 : i32
    %dma_start3A_88 = tpu.memref_slice %arg14[%dma_start3A_86, %dma_start3A_87] : memref<10000x144xf32, #tpu.memory_space<vmem_shared>> -> memref<10000x144xf32, #tpu.memory_space<vmem_shared>>
    tpu.enqueue_indirect_dma source(%dma_start3A_88 : memref<10000x144xf32, #tpu.memory_space<vmem_shared>>) target(%arg8 : memref<64x144xf32, #tpu.memory_space<vmem>>) offsets(%dma_start3A_85 : memref<64xi32, #tpu.memory_space<vmem>>) semaphore(%arg10 : memref<!tpu.dma_semaphore, #tpu.memory_space<semaphore_mem>>)
    %dma_start3A_89 = arith.constant 64 : i32
    %dma_start3A_90 = tpu.memref_slice %arg7[%dma_start3A_89] : memref<10000xi32, #tpu.memory_space<vmem>> -> memref<64xi32, #tpu.memory_space<vmem>>
    %dma_start3A_91 = arith.constant 0 : i32
    %dma_start3A_92 = arith.constant 0 : i32
    %dma_start3A_93 = tpu.memref_slice %arg14[%dma_start3A_91, %dma_start3A_92] : memref<10000x144xf32, #tpu.memory_space<vmem_shared>> -> memref<10000x144xf32, #tpu.memory_space<vmem_shared>>
    tpu.enqueue_indirect_dma source(%dma_start3A_93 : memref<10000x144xf32, #tpu.memory_space<vmem_shared>>) target(%arg9 : memref<64x144xf32, #tpu.memory_space<vmem>>) offsets(%dma_start3A_90 : memref<64xi32, #tpu.memory_space<vmem>>) semaphore(%arg11 : memref<!tpu.dma_semaphore, #tpu.memory_space<semaphore_mem>>)
    %dma_wait3A_94 = arith.constant 0 : i32
    %dma_wait3A_95 = tpu.memref_slice %arg7[%dma_wait3A_94] : memref<10000xi32, #tpu.memory_space<vmem>> -> memref<64xi32, #tpu.memory_space<vmem>>
    %dma_wait3A_96 = arith.constant 0 : i32
    %dma_wait3A_97 = arith.constant 0 : i32
    %dma_wait3A_98 = tpu.memref_slice %arg14[%dma_wait3A_96, %dma_wait3A_97] : memref<10000x144xf32, #tpu.memory_space<vmem_shared>> -> memref<10000x144xf32, #tpu.memory_space<vmem_shared>>
    tpu.wait_indirect_dma semaphore(%arg10 : memref<!tpu.dma_semaphore, #tpu.memory_space<semaphore_mem>>) src(%dma_wait3A_98 : memref<10000x144xf32, #tpu.memory_space<vmem_shared>>) dst(%arg8 : memref<64x144xf32, #tpu.memory_space<vmem>>)
    %dma_start3A_99 = arith.constant 0 : i32
    %dma_start3A_100 = tpu.memref_slice %arg6[%dma_start3A_99] : memref<10000xi32, #tpu.memory_space<vmem>> -> memref<64xi32, #tpu.memory_space<vmem>>
    %dma_start3A_101 = arith.constant 0 : i32
    %dma_start3A_102 = arith.constant 0 : i32
    %dma_start3A_103 = tpu.memref_slice %arg14[%dma_start3A_101, %dma_start3A_102] : memref<10000x144xf32, #tpu.memory_space<vmem_shared>> -> memref<10000x144xf32, #tpu.memory_space<vmem_shared>>
    tpu.enqueue_indirect_dma source(%arg8 : memref<64x144xf32, #tpu.memory_space<vmem>>) target(%dma_start3A_103 : memref<10000x144xf32, #tpu.memory_space<vmem_shared>>) offsets(%dma_start3A_100 : memref<64xi32, #tpu.memory_space<vmem>>) semaphore(%arg12 : memref<!tpu.dma_semaphore, #tpu.memory_space<semaphore_mem>>) {add = true}
    %dma_wait3A_104 = arith.constant 64 : i32
    %dma_wait3A_105 = tpu.memref_slice %arg7[%dma_wait3A_104] : memref<10000xi32, #tpu.memory_space<vmem>> -> memref<64xi32, #tpu.memory_space<vmem>>
    %dma_wait3A_106 = arith.constant 0 : i32
    %dma_wait3A_107 = arith.constant 0 : i32
    %dma_wait3A_108 = tpu.memref_slice %arg14[%dma_wait3A_106, %dma_wait3A_107] : memref<10000x144xf32, #tpu.memory_space<vmem_shared>> -> memref<10000x144xf32, #tpu.memory_space<vmem_shared>>
    tpu.wait_indirect_dma semaphore(%arg11 : memref<!tpu.dma_semaphore, #tpu.memory_space<semaphore_mem>>) src(%dma_wait3A_108 : memref<10000x144xf32, #tpu.memory_space<vmem_shared>>) dst(%arg9 : memref<64x144xf32, #tpu.memory_space<vmem>>)
    %dma_start3A_109 = arith.constant 64 : i32
    %dma_start3A_110 = tpu.memref_slice %arg6[%dma_start3A_109] : memref<10000xi32, #tpu.memory_space<vmem>> -> memref<64xi32, #tpu.memory_space<vmem>>
    %dma_start3A_111 = arith.constant 0 : i32
    %dma_start3A_112 = arith.constant 0 : i32
    %dma_start3A_113 = tpu.memref_slice %arg14[%dma_start3A_111, %dma_start3A_112] : memref<10000x144xf32, #tpu.memory_space<vmem_shared>> -> memref<10000x144xf32, #tpu.memory_space<vmem_shared>>
    tpu.enqueue_indirect_dma source(%arg9 : memref<64x144xf32, #tpu.memory_space<vmem>>) target(%dma_start3A_113 : memref<10000x144xf32, #tpu.memory_space<vmem_shared>>) offsets(%dma_start3A_110 : memref<64xi32, #tpu.memory_space<vmem>>) semaphore(%arg13 : memref<!tpu.dma_semaphore, #tpu.memory_space<semaphore_mem>>) {add = true}
    %scan3A_114 = arith.constant 0 : i32
    %scan3A_115 = arith.constant 0 : i32
    %scan3A_116 = arith.constant 77 : i32
    %scan3A_117 = arith.addi %scan3A_115, %scan3A_116 : i32
    %scan3A_118 = arith.constant 1 : i32
    scf.for %scan3A_179 = %scan3A_115 to %scan3A_117 step %scan3A_118  : i32 {
      %mul3A_180 = arith.constant 2 : i32
      %mul3A_181 = arith.muli %mul3A_180, %scan3A_179 : i32
      %add3A_182 = arith.constant 2 : i32
      %add3A_183 = arith.addi %add3A_182, %mul3A_181 : i32
      %sub3A = arith.constant 2 : i32
      %sub3A_184 = arith.subi %add3A_183, %sub3A : i32
      %mul3A_185 = arith.constant 64 : i32
      %mul3A_186 = arith.muli %sub3A_184, %mul3A_185 : i32
      %dma_wait3A_187 = tpu.memref_slice %arg6[%mul3A_186] : memref<10000xi32, #tpu.memory_space<vmem>> -> memref<64xi32, #tpu.memory_space<vmem>>
      %dma_wait3A_188 = arith.constant 0 : i32
      %dma_wait3A_189 = arith.constant 0 : i32
      %dma_wait3A_190 = tpu.memref_slice %arg14[%dma_wait3A_188, %dma_wait3A_189] : memref<10000x144xf32, #tpu.memory_space<vmem_shared>> -> memref<10000x144xf32, #tpu.memory_space<vmem_shared>>
      tpu.wait_indirect_dma semaphore(%arg12 : memref<!tpu.dma_semaphore, #tpu.memory_space<semaphore_mem>>) src(%arg8 : memref<64x144xf32, #tpu.memory_space<vmem>>) dst(%dma_wait3A_190 : memref<10000x144xf32, #tpu.memory_space<vmem_shared>>)
      %mul3A_191 = arith.constant 64 : i32
      %mul3A_192 = arith.muli %add3A_183, %mul3A_191 : i32
      %dma_start3A_193 = tpu.memref_slice %arg7[%mul3A_192] : memref<10000xi32, #tpu.memory_space<vmem>> -> memref<64xi32, #tpu.memory_space<vmem>>
      %dma_start3A_194 = arith.constant 0 : i32
      %dma_start3A_195 = arith.constant 0 : i32
      %dma_start3A_196 = tpu.memref_slice %arg14[%dma_start3A_194, %dma_start3A_195] : memref<10000x144xf32, #tpu.memory_space<vmem_shared>> -> memref<10000x144xf32, #tpu.memory_space<vmem_shared>>
      tpu.enqueue_indirect_dma source(%dma_start3A_196 : memref<10000x144xf32, #tpu.memory_space<vmem_shared>>) target(%arg8 : memref<64x144xf32, #tpu.memory_space<vmem>>) offsets(%dma_start3A_193 : memref<64xi32, #tpu.memory_space<vmem>>) semaphore(%arg10 : memref<!tpu.dma_semaphore, #tpu.memory_space<semaphore_mem>>)
      %sub3A_197 = arith.constant 1 : i32
      %sub3A_198 = arith.subi %add3A_183, %sub3A_197 : i32
      %mul3A_199 = arith.constant 64 : i32
      %mul3A_200 = arith.muli %sub3A_198, %mul3A_199 : i32
      %dma_wait3A_201 = tpu.memref_slice %arg6[%mul3A_200] : memref<10000xi32, #tpu.memory_space<vmem>> -> memref<64xi32, #tpu.memory_space<vmem>>
      %dma_wait3A_202 = arith.constant 0 : i32
      %dma_wait3A_203 = arith.constant 0 : i32
      %dma_wait3A_204 = tpu.memref_slice %arg14[%dma_wait3A_202, %dma_wait3A_203] : memref<10000x144xf32, #tpu.memory_space<vmem_shared>> -> memref<10000x144xf32, #tpu.memory_space<vmem_shared>>
      tpu.wait_indirect_dma semaphore(%arg13 : memref<!tpu.dma_semaphore, #tpu.memory_space<semaphore_mem>>) src(%arg9 : memref<64x144xf32, #tpu.memory_space<vmem>>) dst(%dma_wait3A_204 : memref<10000x144xf32, #tpu.memory_space<vmem_shared>>)
      %add3A_205 = arith.constant 1 : i32
      %add3A_206 = arith.addi %add3A_183, %add3A_205 : i32
      %mul3A_207 = arith.constant 64 : i32
      %mul3A_208 = arith.muli %add3A_206, %mul3A_207 : i32
      %dma_start3A_209 = tpu.memref_slice %arg7[%mul3A_208] : memref<10000xi32, #tpu.memory_space<vmem>> -> memref<64xi32, #tpu.memory_space<vmem>>
      %dma_start3A_210 = arith.constant 0 : i32
      %dma_start3A_211 = arith.constant 0 : i32
      %dma_start3A_212 = tpu.memref_slice %arg14[%dma_start3A_210, %dma_start3A_211] : memref<10000x144xf32, #tpu.memory_space<vmem_shared>> -> memref<10000x144xf32, #tpu.memory_space<vmem_shared>>
      tpu.enqueue_indirect_dma source(%dma_start3A_212 : memref<10000x144xf32, #tpu.memory_space<vmem_shared>>) target(%arg9 : memref<64x144xf32, #tpu.memory_space<vmem>>) offsets(%dma_start3A_209 : memref<64xi32, #tpu.memory_space<vmem>>) semaphore(%arg11 : memref<!tpu.dma_semaphore, #tpu.memory_space<semaphore_mem>>)
      %mul3A_213 = arith.constant 64 : i32
      %mul3A_214 = arith.muli %add3A_183, %mul3A_213 : i32
      %dma_wait3A_215 = tpu.memref_slice %arg7[%mul3A_214] : memref<10000xi32, #tpu.memory_space<vmem>> -> memref<64xi32, #tpu.memory_space<vmem>>
      %dma_wait3A_216 = arith.constant 0 : i32
      %dma_wait3A_217 = arith.constant 0 : i32
      %dma_wait3A_218 = tpu.memref_slice %arg14[%dma_wait3A_216, %dma_wait3A_217] : memref<10000x144xf32, #tpu.memory_space<vmem_shared>> -> memref<10000x144xf32, #tpu.memory_space<vmem_shared>>
      tpu.wait_indirect_dma semaphore(%arg10 : memref<!tpu.dma_semaphore, #tpu.memory_space<semaphore_mem>>) src(%dma_wait3A_218 : memref<10000x144xf32, #tpu.memory_space<vmem_shared>>) dst(%arg8 : memref<64x144xf32, #tpu.memory_space<vmem>>)
      %mul3A_219 = arith.constant 64 : i32
      %mul3A_220 = arith.muli %add3A_183, %mul3A_219 : i32
      %dma_start3A_221 = tpu.memref_slice %arg6[%mul3A_220] : memref<10000xi32, #tpu.memory_space<vmem>> -> memref<64xi32, #tpu.memory_space<vmem>>
      %dma_start3A_222 = arith.constant 0 : i32
      %dma_start3A_223 = arith.constant 0 : i32
      %dma_start3A_224 = tpu.memref_slice %arg14[%dma_start3A_222, %dma_start3A_223] : memref<10000x144xf32, #tpu.memory_space<vmem_shared>> -> memref<10000x144xf32, #tpu.memory_space<vmem_shared>>
      tpu.enqueue_indirect_dma source(%arg8 : memref<64x144xf32, #tpu.memory_space<vmem>>) target(%dma_start3A_224 : memref<10000x144xf32, #tpu.memory_space<vmem_shared>>) offsets(%dma_start3A_221 : memref<64xi32, #tpu.memory_space<vmem>>) semaphore(%arg12 : memref<!tpu.dma_semaphore, #tpu.memory_space<semaphore_mem>>) {add = true}
      %add3A_225 = arith.constant 1 : i32
      %add3A_226 = arith.addi %add3A_183, %add3A_225 : i32
      %mul3A_227 = arith.constant 64 : i32
      %mul3A_228 = arith.muli %add3A_226, %mul3A_227 : i32
      %dma_wait3A_229 = tpu.memref_slice %arg7[%mul3A_228] : memref<10000xi32, #tpu.memory_space<vmem>> -> memref<64xi32, #tpu.memory_space<vmem>>
      %dma_wait3A_230 = arith.constant 0 : i32
      %dma_wait3A_231 = arith.constant 0 : i32
      %dma_wait3A_232 = tpu.memref_slice %arg14[%dma_wait3A_230, %dma_wait3A_231] : memref<10000x144xf32, #tpu.memory_space<vmem_shared>> -> memref<10000x144xf32, #tpu.memory_space<vmem_shared>>
      tpu.wait_indirect_dma semaphore(%arg11 : memref<!tpu.dma_semaphore, #tpu.memory_space<semaphore_mem>>) src(%dma_wait3A_232 : memref<10000x144xf32, #tpu.memory_space<vmem_shared>>) dst(%arg9 : memref<64x144xf32, #tpu.memory_space<vmem>>)
      %add3A_233 = arith.constant 1 : i32
      %add3A_234 = arith.addi %add3A_183, %add3A_233 : i32
      %mul3A_235 = arith.constant 64 : i32
      %mul3A_236 = arith.muli %add3A_234, %mul3A_235 : i32
      %dma_start3A_237 = tpu.memref_slice %arg6[%mul3A_236] : memref<10000xi32, #tpu.memory_space<vmem>> -> memref<64xi32, #tpu.memory_space<vmem>>
      %dma_start3A_238 = arith.constant 0 : i32
      %dma_start3A_239 = arith.constant 0 : i32
      %dma_start3A_240 = tpu.memref_slice %arg14[%dma_start3A_238, %dma_start3A_239] : memref<10000x144xf32, #tpu.memory_space<vmem_shared>> -> memref<10000x144xf32, #tpu.memory_space<vmem_shared>>
      tpu.enqueue_indirect_dma source(%arg9 : memref<64x144xf32, #tpu.memory_space<vmem>>) target(%dma_start3A_240 : memref<10000x144xf32, #tpu.memory_space<vmem_shared>>) offsets(%dma_start3A_237 : memref<64xi32, #tpu.memory_space<vmem>>) semaphore(%arg13 : memref<!tpu.dma_semaphore, #tpu.memory_space<semaphore_mem>>) {add = true}
    }
    %scan3A_119 = arith.constant 77 : i32
    %dma_wait3A_120 = arith.constant 9856 : i32
    %dma_wait3A_121 = tpu.memref_slice %arg6[%dma_wait3A_120] : memref<10000xi32, #tpu.memory_space<vmem>> -> memref<64xi32, #tpu.memory_space<vmem>>
    %dma_wait3A_122 = arith.constant 0 : i32
    %dma_wait3A_123 = arith.constant 0 : i32
    %dma_wait3A_124 = tpu.memref_slice %arg14[%dma_wait3A_122, %dma_wait3A_123] : memref<10000x144xf32, #tpu.memory_space<vmem_shared>> -> memref<10000x144xf32, #tpu.memory_space<vmem_shared>>
    tpu.wait_indirect_dma semaphore(%arg12 : memref<!tpu.dma_semaphore, #tpu.memory_space<semaphore_mem>>) src(%arg8 : memref<64x144xf32, #tpu.memory_space<vmem>>) dst(%dma_wait3A_124 : memref<10000x144xf32, #tpu.memory_space<vmem_shared>>)
    %dma_wait3A_125 = arith.constant 9920 : i32
    %dma_wait3A_126 = tpu.memref_slice %arg6[%dma_wait3A_125] : memref<10000xi32, #tpu.memory_space<vmem>> -> memref<64xi32, #tpu.memory_space<vmem>>
    %dma_wait3A_127 = arith.constant 0 : i32
    %dma_wait3A_128 = arith.constant 0 : i32
    %dma_wait3A_129 = tpu.memref_slice %arg14[%dma_wait3A_127, %dma_wait3A_128] : memref<10000x144xf32, #tpu.memory_space<vmem_shared>> -> memref<10000x144xf32, #tpu.memory_space<vmem_shared>>
    tpu.wait_indirect_dma semaphore(%arg13 : memref<!tpu.dma_semaphore, #tpu.memory_space<semaphore_mem>>) src(%arg9 : memref<64x144xf32, #tpu.memory_space<vmem>>) dst(%dma_wait3A_129 : memref<10000x144xf32, #tpu.memory_space<vmem_shared>>)
    %dma_start3A_130 = arith.constant 0 : i32
    %dma_start3A_131 = arith.constant 0 : i32
    %dma_start3A_132 = tpu.memref_slice %arg8[%dma_start3A_130, %dma_start3A_131] : memref<64x144xf32, #tpu.memory_space<vmem>> -> memref<16x144xf32, #tpu.memory_space<vmem>>
    %dma_start3A_133 = arith.constant 9984 : i32
    %dma_start3A_134 = tpu.memref_slice %arg7[%dma_start3A_133] : memref<10000xi32, #tpu.memory_space<vmem>> -> memref<16xi32, #tpu.memory_space<vmem>>
    %dma_start3A_135 = arith.constant 0 : i32
    %dma_start3A_136 = arith.constant 0 : i32
    %dma_start3A_137 = tpu.memref_slice %arg14[%dma_start3A_135, %dma_start3A_136] : memref<10000x144xf32, #tpu.memory_space<vmem_shared>> -> memref<10000x144xf32, #tpu.memory_space<vmem_shared>>
    tpu.enqueue_indirect_dma source(%dma_start3A_137 : memref<10000x144xf32, #tpu.memory_space<vmem_shared>>) target(%dma_start3A_132 : memref<16x144xf32, #tpu.memory_space<vmem>>) offsets(%dma_start3A_134 : memref<16xi32, #tpu.memory_space<vmem>>) semaphore(%arg10 : memref<!tpu.dma_semaphore, #tpu.memory_space<semaphore_mem>>)
    %dma_wait3A_138 = arith.constant 0 : i32
    %dma_wait3A_139 = arith.constant 0 : i32
    %dma_wait3A_140 = tpu.memref_slice %arg8[%dma_wait3A_138, %dma_wait3A_139] : memref<64x144xf32, #tpu.memory_space<vmem>> -> memref<16x144xf32, #tpu.memory_space<vmem>>
    %dma_wait3A_141 = arith.constant 9984 : i32
    %dma_wait3A_142 = tpu.memref_slice %arg7[%dma_wait3A_141] : memref<10000xi32, #tpu.memory_space<vmem>> -> memref<16xi32, #tpu.memory_space<vmem>>
    %dma_wait3A_143 = arith.constant 0 : i32
    %dma_wait3A_144 = arith.constant 0 : i32
    %dma_wait3A_145 = tpu.memref_slice %arg14[%dma_wait3A_143, %dma_wait3A_144] : memref<10000x144xf32, #tpu.memory_space<vmem_shared>> -> memref<10000x144xf32, #tpu.memory_space<vmem_shared>>
    tpu.wait_indirect_dma semaphore(%arg10 : memref<!tpu.dma_semaphore, #tpu.memory_space<semaphore_mem>>) src(%dma_wait3A_145 : memref<10000x144xf32, #tpu.memory_space<vmem_shared>>) dst(%dma_wait3A_140 : memref<16x144xf32, #tpu.memory_space<vmem>>)
    "tpu.region"() ({
      %run_scoped3A = tpu.sem_alloc : memref<!tpu.dma_semaphore, #tpu.memory_space<semaphore_mem>>
      %dma_start3A_179 = arith.constant 0 : i32
      %dma_start3A_180 = arith.constant 0 : i32
      %dma_start3A_181 = tpu.memref_slice %arg8[%dma_start3A_179, %dma_start3A_180] : memref<64x144xf32, #tpu.memory_space<vmem>> -> memref<16x144xf32, #tpu.memory_space<vmem>>
      %dma_start3A_182 = arith.constant 9984 : i32
      %dma_start3A_183 = tpu.memref_slice %arg6[%dma_start3A_182] : memref<10000xi32, #tpu.memory_space<vmem>> -> memref<16xi32, #tpu.memory_space<vmem>>
      %dma_start3A_184 = arith.constant 0 : i32
      %dma_start3A_185 = arith.constant 0 : i32
      %dma_start3A_186 = tpu.memref_slice %arg14[%dma_start3A_184, %dma_start3A_185] : memref<10000x144xf32, #tpu.memory_space<vmem_shared>> -> memref<10000x144xf32, #tpu.memory_space<vmem_shared>>
      tpu.enqueue_indirect_dma source(%dma_start3A_181 : memref<16x144xf32, #tpu.memory_space<vmem>>) target(%dma_start3A_186 : memref<10000x144xf32, #tpu.memory_space<vmem_shared>>) offsets(%dma_start3A_183 : memref<16xi32, #tpu.memory_space<vmem>>) semaphore(%run_scoped3A : memref<!tpu.dma_semaphore, #tpu.memory_space<semaphore_mem>>) {add = true}
      %dma_wait3A_187 = arith.constant 0 : i32
      %dma_wait3A_188 = arith.constant 0 : i32
      %dma_wait3A_189 = tpu.memref_slice %arg8[%dma_wait3A_187, %dma_wait3A_188] : memref<64x144xf32, #tpu.memory_space<vmem>> -> memref<16x144xf32, #tpu.memory_space<vmem>>
      %dma_wait3A_190 = arith.constant 9984 : i32
      %dma_wait3A_191 = tpu.memref_slice %arg6[%dma_wait3A_190] : memref<10000xi32, #tpu.memory_space<vmem>> -> memref<16xi32, #tpu.memory_space<vmem>>
      %dma_wait3A_192 = arith.constant 0 : i32
      %dma_wait3A_193 = arith.constant 0 : i32
      %dma_wait3A_194 = tpu.memref_slice %arg14[%dma_wait3A_192, %dma_wait3A_193] : memref<10000x144xf32, #tpu.memory_space<vmem_shared>> -> memref<10000x144xf32, #tpu.memory_space<vmem_shared>>
      tpu.wait_indirect_dma semaphore(%run_scoped3A : memref<!tpu.dma_semaphore, #tpu.memory_space<semaphore_mem>>) src(%dma_wait3A_189 : memref<16x144xf32, #tpu.memory_space<vmem>>) dst(%dma_wait3A_194 : memref<10000x144xf32, #tpu.memory_space<vmem_shared>>)
      tpu.yield
    }) : () -> ()
    %barrier3A_146 = arith.constant 0 : index
    tpu.barrier barrier_id(%barrier3A_146)
    %mul3A_147 = arith.constant 500 : i32
    %mul3A_148 = arith.muli %arg1, %mul3A_147 : i32
    %add3A_149 = arith.constant 0 : i32
    %add3A_150 = arith.addi %mul3A_148, %add3A_149 : i32
    "tpu.region"() ({
      %run_scoped3A = tpu.sem_alloc : memref<!tpu.dma_semaphore, #tpu.memory_space<semaphore_mem>>
      %dma_start3A_179 = arith.constant 0 : i32
      %dma_start3A_180 = arith.constant 0 : i32
      %dma_start3A_181 = tpu.memref_slice %arg8[%dma_start3A_179, %dma_start3A_180] : memref<64x144xf32, #tpu.memory_space<vmem>> -> memref<64x144xf32, #tpu.memory_space<vmem>>
      %dma_start3A_182 = arith.constant 0 : i32
      %dma_start3A_183 = tpu.memref_slice %arg14[%add3A_150, %dma_start3A_182] : memref<10000x144xf32, #tpu.memory_space<vmem_shared>> -> memref<64x144xf32, #tpu.memory_space<vmem_shared>>
      %dma_start3A_184 = arith.constant 0 : i32
      %dma_start3A_185 = arith.constant 0 : i32
      %dma_start3A_186 = tpu.memref_slice %arg8[%dma_start3A_184, %dma_start3A_185] : memref<64x144xf32, #tpu.memory_space<vmem>> -> memref<64x144xf32, #tpu.memory_space<vmem>>
      %dma_start3A_187 = arith.constant 0 : i32
      %dma_start3A_188 = tpu.memref_slice %arg14[%add3A_150, %dma_start3A_187] : memref<10000x144xf32, #tpu.memory_space<vmem_shared>> -> memref<64x144xf32, #tpu.memory_space<vmem_shared>>
      tpu.enqueue_dma source(%dma_start3A_188 : memref<64x144xf32, #tpu.memory_space<vmem_shared>>) target(%dma_start3A_186 : memref<64x144xf32, #tpu.memory_space<vmem>>) target_semaphore(%run_scoped3A : memref<!tpu.dma_semaphore, #tpu.memory_space<semaphore_mem>>)
      %dma_wait3A_189 = arith.constant 0 : i32
      %dma_wait3A_190 = arith.constant 0 : i32
      %dma_wait3A_191 = tpu.memref_slice %arg8[%dma_wait3A_189, %dma_wait3A_190] : memref<64x144xf32, #tpu.memory_space<vmem>> -> memref<64x144xf32, #tpu.memory_space<vmem>>
      %dma_wait3A_192 = arith.constant 0 : i32
      %dma_wait3A_193 = tpu.memref_slice %arg14[%add3A_150, %dma_wait3A_192] : memref<10000x144xf32, #tpu.memory_space<vmem_shared>> -> memref<64x144xf32, #tpu.memory_space<vmem_shared>>
      %dma_wait3A_194 = arith.constant 0 : i32
      %dma_wait3A_195 = arith.constant 0 : i32
      %dma_wait3A_196 = tpu.memref_slice %arg8[%dma_wait3A_194, %dma_wait3A_195] : memref<64x144xf32, #tpu.memory_space<vmem>> -> memref<64x144xf32, #tpu.memory_space<vmem>>
      %dma_wait3A_197 = arith.constant 0 : i32
      %dma_wait3A_198 = tpu.memref_slice %arg14[%add3A_150, %dma_wait3A_197] : memref<10000x144xf32, #tpu.memory_space<vmem_shared>> -> memref<64x144xf32, #tpu.memory_space<vmem_shared>>
      tpu.wait_dma2 semaphore(%run_scoped3A : memref<!tpu.dma_semaphore, #tpu.memory_space<semaphore_mem>>) src(%dma_wait3A_198 : memref<64x144xf32, #tpu.memory_space<vmem_shared>>) dst(%dma_wait3A_196 : memref<64x144xf32, #tpu.memory_space<vmem>>)
      tpu.yield
    }) : () -> ()
    "tpu.region"() ({
      %run_scoped3A = tpu.sem_alloc : memref<!tpu.dma_semaphore, #tpu.memory_space<semaphore_mem>>
      %dma_start3A_179 = arith.constant 0 : i32
      %dma_start3A_180 = arith.constant 0 : i32
      %dma_start3A_181 = tpu.memref_slice %arg8[%dma_start3A_179, %dma_start3A_180] : memref<64x144xf32, #tpu.memory_space<vmem>> -> memref<64x128xf32, #tpu.memory_space<vmem>>
      %dma_start3A_182 = arith.constant 0 : i32
      %dma_start3A_183 = tpu.memref_slice %arg4[%arg0, %add3A_150, %dma_start3A_182] : memref<2x8000x128xf32, #tpu.memory_space<hbm>> -> memref<1x64x128xf32, #tpu.memory_space<hbm>>
      %dma_start3A_184 = tpu.memref_squeeze %dma_start3A_183 : memref<1x64x128xf32, #tpu.memory_space<hbm>> -> memref<64x128xf32, #tpu.memory_space<hbm>>
      %dma_start3A_185 = arith.constant 0 : i32
      %dma_start3A_186 = tpu.memref_slice %arg4[%arg0, %add3A_150, %dma_start3A_185] : memref<2x8000x128xf32, #tpu.memory_space<hbm>> -> memref<1x64x128xf32, #tpu.memory_space<hbm>>
      %dma_start3A_187 = tpu.memref_squeeze %dma_start3A_186 : memref<1x64x128xf32, #tpu.memory_space<hbm>> -> memref<64x128xf32, #tpu.memory_space<hbm>>
      %dma_start3A_188 = arith.constant 0 : i32
      %dma_start3A_189 = arith.constant 0 : i32
      %dma_start3A_190 = tpu.memref_slice %arg8[%dma_start3A_188, %dma_start3A_189] : memref<64x144xf32, #tpu.memory_space<vmem>> -> memref<64x128xf32, #tpu.memory_space<vmem>>
      tpu.enqueue_dma source(%dma_start3A_190 : memref<64x128xf32, #tpu.memory_space<vmem>>) target(%dma_start3A_187 : memref<64x128xf32, #tpu.memory_space<hbm>>) target_semaphore(%run_scoped3A : memref<!tpu.dma_semaphore, #tpu.memory_space<semaphore_mem>>)
      %dma_wait3A_191 = arith.constant 0 : i32
      %dma_wait3A_192 = arith.constant 0 : i32
      %dma_wait3A_193 = tpu.memref_slice %arg8[%dma_wait3A_191, %dma_wait3A_192] : memref<64x144xf32, #tpu.memory_space<vmem>> -> memref<64x128xf32, #tpu.memory_space<vmem>>
      %dma_wait3A_194 = arith.constant 0 : i32
      %dma_wait3A_195 = tpu.memref_slice %arg4[%arg0, %add3A_150, %dma_wait3A_194] : memref<2x8000x128xf32, #tpu.memory_space<hbm>> -> memref<1x64x128xf32, #tpu.memory_space<hbm>>
      %dma_wait3A_196 = tpu.memref_squeeze %dma_wait3A_195 : memref<1x64x128xf32, #tpu.memory_space<hbm>> -> memref<64x128xf32, #tpu.memory_space<hbm>>
      %dma_wait3A_197 = arith.constant 0 : i32
      %dma_wait3A_198 = tpu.memref_slice %arg4[%arg0, %add3A_150, %dma_wait3A_197] : memref<2x8000x128xf32, #tpu.memory_space<hbm>> -> memref<1x64x128xf32, #tpu.memory_space<hbm>>
      %dma_wait3A_199 = tpu.memref_squeeze %dma_wait3A_198 : memref<1x64x128xf32, #tpu.memory_space<hbm>> -> memref<64x128xf32, #tpu.memory_space<hbm>>
      %dma_wait3A_200 = arith.constant 0 : i32
      %dma_wait3A_201 = arith.constant 0 : i32
      %dma_wait3A_202 = tpu.memref_slice %arg8[%dma_wait3A_200, %dma_wait3A_201] : memref<64x144xf32, #tpu.memory_space<vmem>> -> memref<64x128xf32, #tpu.memory_space<vmem>>
      tpu.wait_dma2 semaphore(%run_scoped3A : memref<!tpu.dma_semaphore, #tpu.memory_space<semaphore_mem>>) src(%dma_wait3A_202 : memref<64x128xf32, #tpu.memory_space<vmem>>) dst(%dma_wait3A_199 : memref<64x128xf32, #tpu.memory_space<hbm>>)
      tpu.yield
    }) : () -> ()
    "tpu.region"() ({
      %run_scoped3A = tpu.sem_alloc : memref<!tpu.dma_semaphore, #tpu.memory_space<semaphore_mem>>
      %dma_start3A_179 = arith.constant 0 : i32
      %dma_start3A_180 = arith.constant 128 : i32
      %dma_start3A_181 = tpu.memref_slice %arg8[%dma_start3A_179, %dma_start3A_180] : memref<64x144xf32, #tpu.memory_space<vmem>> -> memref<64x16xf32, #tpu.memory_space<vmem>>
      %dma_start3A_182 = arith.constant 0 : i32
      %dma_start3A_183 = tpu.memref_slice %arg5[%arg0, %add3A_150, %dma_start3A_182] : memref<2x8000x16xf32, #tpu.memory_space<hbm>> -> memref<1x64x16xf32, #tpu.memory_space<hbm>>
      %dma_start3A_184 = tpu.memref_squeeze %dma_start3A_183 : memref<1x64x16xf32, #tpu.memory_space<hbm>> -> memref<64x16xf32, #tpu.memory_space<hbm>>
      %dma_start3A_185 = arith.constant 0 : i32
      %dma_start3A_186 = tpu.memref_slice %arg5[%arg0, %add3A_150, %dma_start3A_185] : memref<2x8000x16xf32, #tpu.memory_space<hbm>> -> memref<1x64x16xf32, #tpu.memory_space<hbm>>
      %dma_start3A_187 = tpu.memref_squeeze %dma_start3A_186 : memref<1x64x16xf32, #tpu.memory_space<hbm>> -> memref<64x16xf32, #tpu.memory_space<hbm>>
      %dma_start3A_188 = arith.constant 0 : i32
      %dma_start3A_189 = arith.constant 128 : i32
      %dma_start3A_190 = tpu.memref_slice %arg8[%dma_start3A_188, %dma_start3A_189] : memref<64x144xf32, #tpu.memory_space<vmem>> -> memref<64x16xf32, #tpu.memory_space<vmem>>
      tpu.enqueue_dma source(%dma_start3A_190 : memref<64x16xf32, #tpu.memory_space<vmem>>) target(%dma_start3A_187 : memref<64x16xf32, #tpu.memory_space<hbm>>) target_semaphore(%run_scoped3A : memref<!tpu.dma_semaphore, #tpu.memory_space<semaphore_mem>>)
      %dma_wait3A_191 = arith.constant 0 : i32
      %dma_wait3A_192 = arith.constant 128 : i32
      %dma_wait3A_193 = tpu.memref_slice %arg8[%dma_wait3A_191, %dma_wait3A_192] : memref<64x144xf32, #tpu.memory_space<vmem>> -> memref<64x16xf32, #tpu.memory_space<vmem>>
      %dma_wait3A_194 = arith.constant 0 : i32
      %dma_wait3A_195 = tpu.memref_slice %arg5[%arg0, %add3A_150, %dma_wait3A_194] : memref<2x8000x16xf32, #tpu.memory_space<hbm>> -> memref<1x64x16xf32, #tpu.memory_space<hbm>>
      %dma_wait3A_196 = tpu.memref_squeeze %dma_wait3A_195 : memref<1x64x16xf32, #tpu.memory_space<hbm>> -> memref<64x16xf32, #tpu.memory_space<hbm>>
      %dma_wait3A_197 = arith.constant 0 : i32
      %dma_wait3A_198 = tpu.memref_slice %arg5[%arg0, %add3A_150, %dma_wait3A_197] : memref<2x8000x16xf32, #tpu.memory_space<hbm>> -> memref<1x64x16xf32, #tpu.memory_space<hbm>>
      %dma_wait3A_199 = tpu.memref_squeeze %dma_wait3A_198 : memref<1x64x16xf32, #tpu.memory_space<hbm>> -> memref<64x16xf32, #tpu.memory_space<hbm>>
      %dma_wait3A_200 = arith.constant 0 : i32
      %dma_wait3A_201 = arith.constant 128 : i32
      %dma_wait3A_202 = tpu.memref_slice %arg8[%dma_wait3A_200, %dma_wait3A_201] : memref<64x144xf32, #tpu.memory_space<vmem>> -> memref<64x16xf32, #tpu.memory_space<vmem>>
      tpu.wait_dma2 semaphore(%run_scoped3A : memref<!tpu.dma_semaphore, #tpu.memory_space<semaphore_mem>>) src(%dma_wait3A_202 : memref<64x16xf32, #tpu.memory_space<vmem>>) dst(%dma_wait3A_199 : memref<64x16xf32, #tpu.memory_space<hbm>>)
      tpu.yield
    }) : () -> ()
    %mul3A_151 = arith.constant 500 : i32
    %mul3A_152 = arith.muli %arg1, %mul3A_151 : i32
    %add3A_153 = arith.constant 64 : i32
    %add3A_154 = arith.addi %mul3A_152, %add3A_153 : i32
    "tpu.region"() ({
      %run_scoped3A = tpu.sem_alloc : memref<!tpu.dma_semaphore, #tpu.memory_space<semaphore_mem>>
      %dma_start3A_179 = arith.constant 0 : i32
      %dma_start3A_180 = arith.constant 0 : i32
      %dma_start3A_181 = tpu.memref_slice %arg8[%dma_start3A_179, %dma_start3A_180] : memref<64x144xf32, #tpu.memory_space<vmem>> -> memref<64x144xf32, #tpu.memory_space<vmem>>
      %dma_start3A_182 = arith.constant 0 : i32
      %dma_start3A_183 = tpu.memref_slice %arg14[%add3A_154, %dma_start3A_182] : memref<10000x144xf32, #tpu.memory_space<vmem_shared>> -> memref<64x144xf32, #tpu.memory_space<vmem_shared>>
      %dma_start3A_184 = arith.constant 0 : i32
      %dma_start3A_185 = arith.constant 0 : i32
      %dma_start3A_186 = tpu.memref_slice %arg8[%dma_start3A_184, %dma_start3A_185] : memref<64x144xf32, #tpu.memory_space<vmem>> -> memref<64x144xf32, #tpu.memory_space<vmem>>
      %dma_start3A_187 = arith.constant 0 : i32
      %dma_start3A_188 = tpu.memref_slice %arg14[%add3A_154, %dma_start3A_187] : memref<10000x144xf32, #tpu.memory_space<vmem_shared>> -> memref<64x144xf32, #tpu.memory_space<vmem_shared>>
      tpu.enqueue_dma source(%dma_start3A_188 : memref<64x144xf32, #tpu.memory_space<vmem_shared>>) target(%dma_start3A_186 : memref<64x144xf32, #tpu.memory_space<vmem>>) target_semaphore(%run_scoped3A : memref<!tpu.dma_semaphore, #tpu.memory_space<semaphore_mem>>)
      %dma_wait3A_189 = arith.constant 0 : i32
      %dma_wait3A_190 = arith.constant 0 : i32
      %dma_wait3A_191 = tpu.memref_slice %arg8[%dma_wait3A_189, %dma_wait3A_190] : memref<64x144xf32, #tpu.memory_space<vmem>> -> memref<64x144xf32, #tpu.memory_space<vmem>>
      %dma_wait3A_192 = arith.constant 0 : i32
      %dma_wait3A_193 = tpu.memref_slice %arg14[%add3A_154, %dma_wait3A_192] : memref<10000x144xf32, #tpu.memory_space<vmem_shared>> -> memref<64x144xf32, #tpu.memory_space<vmem_shared>>
      %dma_wait3A_194 = arith.constant 0 : i32
      %dma_wait3A_195 = arith.constant 0 : i32
      %dma_wait3A_196 = tpu.memref_slice %arg8[%dma_wait3A_194, %dma_wait3A_195] : memref<64x144xf32, #tpu.memory_space<vmem>> -> memref<64x144xf32, #tpu.memory_space<vmem>>
      %dma_wait3A_197 = arith.constant 0 : i32
      %dma_wait3A_198 = tpu.memref_slice %arg14[%add3A_154, %dma_wait3A_197] : memref<10000x144xf32, #tpu.memory_space<vmem_shared>> -> memref<64x144xf32, #tpu.memory_space<vmem_shared>>
      tpu.wait_dma2 semaphore(%run_scoped3A : memref<!tpu.dma_semaphore, #tpu.memory_space<semaphore_mem>>) src(%dma_wait3A_198 : memref<64x144xf32, #tpu.memory_space<vmem_shared>>) dst(%dma_wait3A_196 : memref<64x144xf32, #tpu.memory_space<vmem>>)
      tpu.yield
    }) : () -> ()
    "tpu.region"() ({
      %run_scoped3A = tpu.sem_alloc : memref<!tpu.dma_semaphore, #tpu.memory_space<semaphore_mem>>
      %dma_start3A_179 = arith.constant 0 : i32
      %dma_start3A_180 = arith.constant 0 : i32
      %dma_start3A_181 = tpu.memref_slice %arg8[%dma_start3A_179, %dma_start3A_180] : memref<64x144xf32, #tpu.memory_space<vmem>> -> memref<64x128xf32, #tpu.memory_space<vmem>>
      %dma_start3A_182 = arith.constant 0 : i32
      %dma_start3A_183 = tpu.memref_slice %arg4[%arg0, %add3A_154, %dma_start3A_182] : memref<2x8000x128xf32, #tpu.memory_space<hbm>> -> memref<1x64x128xf32, #tpu.memory_space<hbm>>
      %dma_start3A_184 = tpu.memref_squeeze %dma_start3A_183 : memref<1x64x128xf32, #tpu.memory_space<hbm>> -> memref<64x128xf32, #tpu.memory_space<hbm>>
      %dma_start3A_185 = arith.constant 0 : i32
      %dma_start3A_186 = tpu.memref_slice %arg4[%arg0, %add3A_154, %dma_start3A_185] : memref<2x8000x128xf32, #tpu.memory_space<hbm>> -> memref<1x64x128xf32, #tpu.memory_space<hbm>>
      %dma_start3A_187 = tpu.memref_squeeze %dma_start3A_186 : memref<1x64x128xf32, #tpu.memory_space<hbm>> -> memref<64x128xf32, #tpu.memory_space<hbm>>
      %dma_start3A_188 = arith.constant 0 : i32
      %dma_start3A_189 = arith.constant 0 : i32
      %dma_start3A_190 = tpu.memref_slice %arg8[%dma_start3A_188, %dma_start3A_189] : memref<64x144xf32, #tpu.memory_space<vmem>> -> memref<64x128xf32, #tpu.memory_space<vmem>>
      tpu.enqueue_dma source(%dma_start3A_190 : memref<64x128xf32, #tpu.memory_space<vmem>>) target(%dma_start3A_187 : memref<64x128xf32, #tpu.memory_space<hbm>>) target_semaphore(%run_scoped3A : memref<!tpu.dma_semaphore, #tpu.memory_space<semaphore_mem>>)
      %dma_wait3A_191 = arith.constant 0 : i32
      %dma_wait3A_192 = arith.constant 0 : i32
      %dma_wait3A_193 = tpu.memref_slice %arg8[%dma_wait3A_191, %dma_wait3A_192] : memref<64x144xf32, #tpu.memory_space<vmem>> -> memref<64x128xf32, #tpu.memory_space<vmem>>
      %dma_wait3A_194 = arith.constant 0 : i32
      %dma_wait3A_195 = tpu.memref_slice %arg4[%arg0, %add3A_154, %dma_wait3A_194] : memref<2x8000x128xf32, #tpu.memory_space<hbm>> -> memref<1x64x128xf32, #tpu.memory_space<hbm>>
      %dma_wait3A_196 = tpu.memref_squeeze %dma_wait3A_195 : memref<1x64x128xf32, #tpu.memory_space<hbm>> -> memref<64x128xf32, #tpu.memory_space<hbm>>
      %dma_wait3A_197 = arith.constant 0 : i32
      %dma_wait3A_198 = tpu.memref_slice %arg4[%arg0, %add3A_154, %dma_wait3A_197] : memref<2x8000x128xf32, #tpu.memory_space<hbm>> -> memref<1x64x128xf32, #tpu.memory_space<hbm>>
      %dma_wait3A_199 = tpu.memref_squeeze %dma_wait3A_198 : memref<1x64x128xf32, #tpu.memory_space<hbm>> -> memref<64x128xf32, #tpu.memory_space<hbm>>
      %dma_wait3A_200 = arith.constant 0 : i32
      %dma_wait3A_201 = arith.constant 0 : i32
      %dma_wait3A_202 = tpu.memref_slice %arg8[%dma_wait3A_200, %dma_wait3A_201] : memref<64x144xf32, #tpu.memory_space<vmem>> -> memref<64x128xf32, #tpu.memory_space<vmem>>
      tpu.wait_dma2 semaphore(%run_scoped3A : memref<!tpu.dma_semaphore, #tpu.memory_space<semaphore_mem>>) src(%dma_wait3A_202 : memref<64x128xf32, #tpu.memory_space<vmem>>) dst(%dma_wait3A_199 : memref<64x128xf32, #tpu.memory_space<hbm>>)
      tpu.yield
    }) : () -> ()
    "tpu.region"() ({
      %run_scoped3A = tpu.sem_alloc : memref<!tpu.dma_semaphore, #tpu.memory_space<semaphore_mem>>
      %dma_start3A_179 = arith.constant 0 : i32
      %dma_start3A_180 = arith.constant 128 : i32
      %dma_start3A_181 = tpu.memref_slice %arg8[%dma_start3A_179, %dma_start3A_180] : memref<64x144xf32, #tpu.memory_space<vmem>> -> memref<64x16xf32, #tpu.memory_space<vmem>>
      %dma_start3A_182 = arith.constant 0 : i32
      %dma_start3A_183 = tpu.memref_slice %arg5[%arg0, %add3A_154, %dma_start3A_182] : memref<2x8000x16xf32, #tpu.memory_space<hbm>> -> memref<1x64x16xf32, #tpu.memory_space<hbm>>
      %dma_start3A_184 = tpu.memref_squeeze %dma_start3A_183 : memref<1x64x16xf32, #tpu.memory_space<hbm>> -> memref<64x16xf32, #tpu.memory_space<hbm>>
      %dma_start3A_185 = arith.constant 0 : i32
      %dma_start3A_186 = tpu.memref_slice %arg5[%arg0, %add3A_154, %dma_start3A_185] : memref<2x8000x16xf32, #tpu.memory_space<hbm>> -> memref<1x64x16xf32, #tpu.memory_space<hbm>>
      %dma_start3A_187 = tpu.memref_squeeze %dma_start3A_186 : memref<1x64x16xf32, #tpu.memory_space<hbm>> -> memref<64x16xf32, #tpu.memory_space<hbm>>
      %dma_start3A_188 = arith.constant 0 : i32
      %dma_start3A_189 = arith.constant 128 : i32
      %dma_start3A_190 = tpu.memref_slice %arg8[%dma_start3A_188, %dma_start3A_189] : memref<64x144xf32, #tpu.memory_space<vmem>> -> memref<64x16xf32, #tpu.memory_space<vmem>>
      tpu.enqueue_dma source(%dma_start3A_190 : memref<64x16xf32, #tpu.memory_space<vmem>>) target(%dma_start3A_187 : memref<64x16xf32, #tpu.memory_space<hbm>>) target_semaphore(%run_scoped3A : memref<!tpu.dma_semaphore, #tpu.memory_space<semaphore_mem>>)
      %dma_wait3A_191 = arith.constant 0 : i32
      %dma_wait3A_192 = arith.constant 128 : i32
      %dma_wait3A_193 = tpu.memref_slice %arg8[%dma_wait3A_191, %dma_wait3A_192] : memref<64x144xf32, #tpu.memory_space<vmem>> -> memref<64x16xf32, #tpu.memory_space<vmem>>
      %dma_wait3A_194 = arith.constant 0 : i32
      %dma_wait3A_195 = tpu.memref_slice %arg5[%arg0, %add3A_154, %dma_wait3A_194] : memref<2x8000x16xf32, #tpu.memory_space<hbm>> -> memref<1x64x16xf32, #tpu.memory_space<hbm>>
      %dma_wait3A_196 = tpu.memref_squeeze %dma_wait3A_195 : memref<1x64x16xf32, #tpu.memory_space<hbm>> -> memref<64x16xf32, #tpu.memory_space<hbm>>
      %dma_wait3A_197 = arith.constant 0 : i32
      %dma_wait3A_198 = tpu.memref_slice %arg5[%arg0, %add3A_154, %dma_wait3A_197] : memref<2x8000x16xf32, #tpu.memory_space<hbm>> -> memref<1x64x16xf32, #tpu.memory_space<hbm>>
      %dma_wait3A_199 = tpu.memref_squeeze %dma_wait3A_198 : memref<1x64x16xf32, #tpu.memory_space<hbm>> -> memref<64x16xf32, #tpu.memory_space<hbm>>
      %dma_wait3A_200 = arith.constant 0 : i32
      %dma_wait3A_201 = arith.constant 128 : i32
      %dma_wait3A_202 = tpu.memref_slice %arg8[%dma_wait3A_200, %dma_wait3A_201] : memref<64x144xf32, #tpu.memory_space<vmem>> -> memref<64x16xf32, #tpu.memory_space<vmem>>
      tpu.wait_dma2 semaphore(%run_scoped3A : memref<!tpu.dma_semaphore, #tpu.memory_space<semaphore_mem>>) src(%dma_wait3A_202 : memref<64x16xf32, #tpu.memory_space<vmem>>) dst(%dma_wait3A_199 : memref<64x16xf32, #tpu.memory_space<hbm>>)
      tpu.yield
    }) : () -> ()
    %mul3A_155 = arith.constant 500 : i32
    %mul3A_156 = arith.muli %arg1, %mul3A_155 : i32
    %add3A_157 = arith.constant 128 : i32
    %add3A_158 = arith.addi %mul3A_156, %add3A_157 : i32
    "tpu.region"() ({
      %run_scoped3A = tpu.sem_alloc : memref<!tpu.dma_semaphore, #tpu.memory_space<semaphore_mem>>
      %dma_start3A_179 = arith.constant 0 : i32
      %dma_start3A_180 = arith.constant 0 : i32
      %dma_start3A_181 = tpu.memref_slice %arg8[%dma_start3A_179, %dma_start3A_180] : memref<64x144xf32, #tpu.memory_space<vmem>> -> memref<64x144xf32, #tpu.memory_space<vmem>>
      %dma_start3A_182 = arith.constant 0 : i32
      %dma_start3A_183 = tpu.memref_slice %arg14[%add3A_158, %dma_start3A_182] : memref<10000x144xf32, #tpu.memory_space<vmem_shared>> -> memref<64x144xf32, #tpu.memory_space<vmem_shared>>
      %dma_start3A_184 = arith.constant 0 : i32
      %dma_start3A_185 = arith.constant 0 : i32
      %dma_start3A_186 = tpu.memref_slice %arg8[%dma_start3A_184, %dma_start3A_185] : memref<64x144xf32, #tpu.memory_space<vmem>> -> memref<64x144xf32, #tpu.memory_space<vmem>>
      %dma_start3A_187 = arith.constant 0 : i32
      %dma_start3A_188 = tpu.memref_slice %arg14[%add3A_158, %dma_start3A_187] : memref<10000x144xf32, #tpu.memory_space<vmem_shared>> -> memref<64x144xf32, #tpu.memory_space<vmem_shared>>
      tpu.enqueue_dma source(%dma_start3A_188 : memref<64x144xf32, #tpu.memory_space<vmem_shared>>) target(%dma_start3A_186 : memref<64x144xf32, #tpu.memory_space<vmem>>) target_semaphore(%run_scoped3A : memref<!tpu.dma_semaphore, #tpu.memory_space<semaphore_mem>>)
      %dma_wait3A_189 = arith.constant 0 : i32
      %dma_wait3A_190 = arith.constant 0 : i32
      %dma_wait3A_191 = tpu.memref_slice %arg8[%dma_wait3A_189, %dma_wait3A_190] : memref<64x144xf32, #tpu.memory_space<vmem>> -> memref<64x144xf32, #tpu.memory_space<vmem>>
      %dma_wait3A_192 = arith.constant 0 : i32
      %dma_wait3A_193 = tpu.memref_slice %arg14[%add3A_158, %dma_wait3A_192] : memref<10000x144xf32, #tpu.memory_space<vmem_shared>> -> memref<64x144xf32, #tpu.memory_space<vmem_shared>>
      %dma_wait3A_194 = arith.constant 0 : i32
      %dma_wait3A_195 = arith.constant 0 : i32
      %dma_wait3A_196 = tpu.memref_slice %arg8[%dma_wait3A_194, %dma_wait3A_195] : memref<64x144xf32, #tpu.memory_space<vmem>> -> memref<64x144xf32, #tpu.memory_space<vmem>>
      %dma_wait3A_197 = arith.constant 0 : i32
      %dma_wait3A_198 = tpu.memref_slice %arg14[%add3A_158, %dma_wait3A_197] : memref<10000x144xf32, #tpu.memory_space<vmem_shared>> -> memref<64x144xf32, #tpu.memory_space<vmem_shared>>
      tpu.wait_dma2 semaphore(%run_scoped3A : memref<!tpu.dma_semaphore, #tpu.memory_space<semaphore_mem>>) src(%dma_wait3A_198 : memref<64x144xf32, #tpu.memory_space<vmem_shared>>) dst(%dma_wait3A_196 : memref<64x144xf32, #tpu.memory_space<vmem>>)
      tpu.yield
    }) : () -> ()
    "tpu.region"() ({
      %run_scoped3A = tpu.sem_alloc : memref<!tpu.dma_semaphore, #tpu.memory_space<semaphore_mem>>
      %dma_start3A_179 = arith.constant 0 : i32
      %dma_start3A_180 = arith.constant 0 : i32
      %dma_start3A_181 = tpu.memref_slice %arg8[%dma_start3A_179, %dma_start3A_180] : memref<64x144xf32, #tpu.memory_space<vmem>> -> memref<64x128xf32, #tpu.memory_space<vmem>>
      %dma_start3A_182 = arith.constant 0 : i32
      %dma_start3A_183 = tpu.memref_slice %arg4[%arg0, %add3A_158, %dma_start3A_182] : memref<2x8000x128xf32, #tpu.memory_space<hbm>> -> memref<1x64x128xf32, #tpu.memory_space<hbm>>
      %dma_start3A_184 = tpu.memref_squeeze %dma_start3A_183 : memref<1x64x128xf32, #tpu.memory_space<hbm>> -> memref<64x128xf32, #tpu.memory_space<hbm>>
      %dma_start3A_185 = arith.constant 0 : i32
      %dma_start3A_186 = tpu.memref_slice %arg4[%arg0, %add3A_158, %dma_start3A_185] : memref<2x8000x128xf32, #tpu.memory_space<hbm>> -> memref<1x64x128xf32, #tpu.memory_space<hbm>>
      %dma_start3A_187 = tpu.memref_squeeze %dma_start3A_186 : memref<1x64x128xf32, #tpu.memory_space<hbm>> -> memref<64x128xf32, #tpu.memory_space<hbm>>
      %dma_start3A_188 = arith.constant 0 : i32
      %dma_start3A_189 = arith.constant 0 : i32
      %dma_start3A_190 = tpu.memref_slice %arg8[%dma_start3A_188, %dma_start3A_189] : memref<64x144xf32, #tpu.memory_space<vmem>> -> memref<64x128xf32, #tpu.memory_space<vmem>>
      tpu.enqueue_dma source(%dma_start3A_190 : memref<64x128xf32, #tpu.memory_space<vmem>>) target(%dma_start3A_187 : memref<64x128xf32, #tpu.memory_space<hbm>>) target_semaphore(%run_scoped3A : memref<!tpu.dma_semaphore, #tpu.memory_space<semaphore_mem>>)
      %dma_wait3A_191 = arith.constant 0 : i32
      %dma_wait3A_192 = arith.constant 0 : i32
      %dma_wait3A_193 = tpu.memref_slice %arg8[%dma_wait3A_191, %dma_wait3A_192] : memref<64x144xf32, #tpu.memory_space<vmem>> -> memref<64x128xf32, #tpu.memory_space<vmem>>
      %dma_wait3A_194 = arith.constant 0 : i32
      %dma_wait3A_195 = tpu.memref_slice %arg4[%arg0, %add3A_158, %dma_wait3A_194] : memref<2x8000x128xf32, #tpu.memory_space<hbm>> -> memref<1x64x128xf32, #tpu.memory_space<hbm>>
      %dma_wait3A_196 = tpu.memref_squeeze %dma_wait3A_195 : memref<1x64x128xf32, #tpu.memory_space<hbm>> -> memref<64x128xf32, #tpu.memory_space<hbm>>
      %dma_wait3A_197 = arith.constant 0 : i32
      %dma_wait3A_198 = tpu.memref_slice %arg4[%arg0, %add3A_158, %dma_wait3A_197] : memref<2x8000x128xf32, #tpu.memory_space<hbm>> -> memref<1x64x128xf32, #tpu.memory_space<hbm>>
      %dma_wait3A_199 = tpu.memref_squeeze %dma_wait3A_198 : memref<1x64x128xf32, #tpu.memory_space<hbm>> -> memref<64x128xf32, #tpu.memory_space<hbm>>
      %dma_wait3A_200 = arith.constant 0 : i32
      %dma_wait3A_201 = arith.constant 0 : i32
      %dma_wait3A_202 = tpu.memref_slice %arg8[%dma_wait3A_200, %dma_wait3A_201] : memref<64x144xf32, #tpu.memory_space<vmem>> -> memref<64x128xf32, #tpu.memory_space<vmem>>
      tpu.wait_dma2 semaphore(%run_scoped3A : memref<!tpu.dma_semaphore, #tpu.memory_space<semaphore_mem>>) src(%dma_wait3A_202 : memref<64x128xf32, #tpu.memory_space<vmem>>) dst(%dma_wait3A_199 : memref<64x128xf32, #tpu.memory_space<hbm>>)
      tpu.yield
    }) : () -> ()
    "tpu.region"() ({
      %run_scoped3A = tpu.sem_alloc : memref<!tpu.dma_semaphore, #tpu.memory_space<semaphore_mem>>
      %dma_start3A_179 = arith.constant 0 : i32
      %dma_start3A_180 = arith.constant 128 : i32
      %dma_start3A_181 = tpu.memref_slice %arg8[%dma_start3A_179, %dma_start3A_180] : memref<64x144xf32, #tpu.memory_space<vmem>> -> memref<64x16xf32, #tpu.memory_space<vmem>>
      %dma_start3A_182 = arith.constant 0 : i32
      %dma_start3A_183 = tpu.memref_slice %arg5[%arg0, %add3A_158, %dma_start3A_182] : memref<2x8000x16xf32, #tpu.memory_space<hbm>> -> memref<1x64x16xf32, #tpu.memory_space<hbm>>
      %dma_start3A_184 = tpu.memref_squeeze %dma_start3A_183 : memref<1x64x16xf32, #tpu.memory_space<hbm>> -> memref<64x16xf32, #tpu.memory_space<hbm>>
      %dma_start3A_185 = arith.constant 0 : i32
      %dma_start3A_186 = tpu.memref_slice %arg5[%arg0, %add3A_158, %dma_start3A_185] : memref<2x8000x16xf32, #tpu.memory_space<hbm>> -> memref<1x64x16xf32, #tpu.memory_space<hbm>>
      %dma_start3A_187 = tpu.memref_squeeze %dma_start3A_186 : memref<1x64x16xf32, #tpu.memory_space<hbm>> -> memref<64x16xf32, #tpu.memory_space<hbm>>
      %dma_start3A_188 = arith.constant 0 : i32
      %dma_start3A_189 = arith.constant 128 : i32
      %dma_start3A_190 = tpu.memref_slice %arg8[%dma_start3A_188, %dma_start3A_189] : memref<64x144xf32, #tpu.memory_space<vmem>> -> memref<64x16xf32, #tpu.memory_space<vmem>>
      tpu.enqueue_dma source(%dma_start3A_190 : memref<64x16xf32, #tpu.memory_space<vmem>>) target(%dma_start3A_187 : memref<64x16xf32, #tpu.memory_space<hbm>>) target_semaphore(%run_scoped3A : memref<!tpu.dma_semaphore, #tpu.memory_space<semaphore_mem>>)
      %dma_wait3A_191 = arith.constant 0 : i32
      %dma_wait3A_192 = arith.constant 128 : i32
      %dma_wait3A_193 = tpu.memref_slice %arg8[%dma_wait3A_191, %dma_wait3A_192] : memref<64x144xf32, #tpu.memory_space<vmem>> -> memref<64x16xf32, #tpu.memory_space<vmem>>
      %dma_wait3A_194 = arith.constant 0 : i32
      %dma_wait3A_195 = tpu.memref_slice %arg5[%arg0, %add3A_158, %dma_wait3A_194] : memref<2x8000x16xf32, #tpu.memory_space<hbm>> -> memref<1x64x16xf32, #tpu.memory_space<hbm>>
      %dma_wait3A_196 = tpu.memref_squeeze %dma_wait3A_195 : memref<1x64x16xf32, #tpu.memory_space<hbm>> -> memref<64x16xf32, #tpu.memory_space<hbm>>
      %dma_wait3A_197 = arith.constant 0 : i32
      %dma_wait3A_198 = tpu.memref_slice %arg5[%arg0, %add3A_158, %dma_wait3A_197] : memref<2x8000x16xf32, #tpu.memory_space<hbm>> -> memref<1x64x16xf32, #tpu.memory_space<hbm>>
      %dma_wait3A_199 = tpu.memref_squeeze %dma_wait3A_198 : memref<1x64x16xf32, #tpu.memory_space<hbm>> -> memref<64x16xf32, #tpu.memory_space<hbm>>
      %dma_wait3A_200 = arith.constant 0 : i32
      %dma_wait3A_201 = arith.constant 128 : i32
      %dma_wait3A_202 = tpu.memref_slice %arg8[%dma_wait3A_200, %dma_wait3A_201] : memref<64x144xf32, #tpu.memory_space<vmem>> -> memref<64x16xf32, #tpu.memory_space<vmem>>
      tpu.wait_dma2 semaphore(%run_scoped3A : memref<!tpu.dma_semaphore, #tpu.memory_space<semaphore_mem>>) src(%dma_wait3A_202 : memref<64x16xf32, #tpu.memory_space<vmem>>) dst(%dma_wait3A_199 : memref<64x16xf32, #tpu.memory_space<hbm>>)
      tpu.yield
    }) : () -> ()
    %mul3A_159 = arith.constant 500 : i32
    %mul3A_160 = arith.muli %arg1, %mul3A_159 : i32
    %add3A_161 = arith.constant 192 : i32
    %add3A_162 = arith.addi %mul3A_160, %add3A_161 : i32
    "tpu.region"() ({
      %run_scoped3A = tpu.sem_alloc : memref<!tpu.dma_semaphore, #tpu.memory_space<semaphore_mem>>
      %dma_start3A_179 = arith.constant 0 : i32
      %dma_start3A_180 = arith.constant 0 : i32
      %dma_start3A_181 = tpu.memref_slice %arg8[%dma_start3A_179, %dma_start3A_180] : memref<64x144xf32, #tpu.memory_space<vmem>> -> memref<64x144xf32, #tpu.memory_space<vmem>>
      %dma_start3A_182 = arith.constant 0 : i32
      %dma_start3A_183 = tpu.memref_slice %arg14[%add3A_162, %dma_start3A_182] : memref<10000x144xf32, #tpu.memory_space<vmem_shared>> -> memref<64x144xf32, #tpu.memory_space<vmem_shared>>
      %dma_start3A_184 = arith.constant 0 : i32
      %dma_start3A_185 = arith.constant 0 : i32
      %dma_start3A_186 = tpu.memref_slice %arg8[%dma_start3A_184, %dma_start3A_185] : memref<64x144xf32, #tpu.memory_space<vmem>> -> memref<64x144xf32, #tpu.memory_space<vmem>>
      %dma_start3A_187 = arith.constant 0 : i32
      %dma_start3A_188 = tpu.memref_slice %arg14[%add3A_162, %dma_start3A_187] : memref<10000x144xf32, #tpu.memory_space<vmem_shared>> -> memref<64x144xf32, #tpu.memory_space<vmem_shared>>
      tpu.enqueue_dma source(%dma_start3A_188 : memref<64x144xf32, #tpu.memory_space<vmem_shared>>) target(%dma_start3A_186 : memref<64x144xf32, #tpu.memory_space<vmem>>) target_semaphore(%run_scoped3A : memref<!tpu.dma_semaphore, #tpu.memory_space<semaphore_mem>>)
      %dma_wait3A_189 = arith.constant 0 : i32
      %dma_wait3A_190 = arith.constant 0 : i32
      %dma_wait3A_191 = tpu.memref_slice %arg8[%dma_wait3A_189, %dma_wait3A_190] : memref<64x144xf32, #tpu.memory_space<vmem>> -> memref<64x144xf32, #tpu.memory_space<vmem>>
      %dma_wait3A_192 = arith.constant 0 : i32
      %dma_wait3A_193 = tpu.memref_slice %arg14[%add3A_162, %dma_wait3A_192] : memref<10000x144xf32, #tpu.memory_space<vmem_shared>> -> memref<64x144xf32, #tpu.memory_space<vmem_shared>>
      %dma_wait3A_194 = arith.constant 0 : i32
      %dma_wait3A_195 = arith.constant 0 : i32
      %dma_wait3A_196 = tpu.memref_slice %arg8[%dma_wait3A_194, %dma_wait3A_195] : memref<64x144xf32, #tpu.memory_space<vmem>> -> memref<64x144xf32, #tpu.memory_space<vmem>>
      %dma_wait3A_197 = arith.constant 0 : i32
      %dma_wait3A_198 = tpu.memref_slice %arg14[%add3A_162, %dma_wait3A_197] : memref<10000x144xf32, #tpu.memory_space<vmem_shared>> -> memref<64x144xf32, #tpu.memory_space<vmem_shared>>
      tpu.wait_dma2 semaphore(%run_scoped3A : memref<!tpu.dma_semaphore, #tpu.memory_space<semaphore_mem>>) src(%dma_wait3A_198 : memref<64x144xf32, #tpu.memory_space<vmem_shared>>) dst(%dma_wait3A_196 : memref<64x144xf32, #tpu.memory_space<vmem>>)
      tpu.yield
    }) : () -> ()
    "tpu.region"() ({
      %run_scoped3A = tpu.sem_alloc : memref<!tpu.dma_semaphore, #tpu.memory_space<semaphore_mem>>
      %dma_start3A_179 = arith.constant 0 : i32
      %dma_start3A_180 = arith.constant 0 : i32
      %dma_start3A_181 = tpu.memref_slice %arg8[%dma_start3A_179, %dma_start3A_180] : memref<64x144xf32, #tpu.memory_space<vmem>> -> memref<64x128xf32, #tpu.memory_space<vmem>>
      %dma_start3A_182 = arith.constant 0 : i32
      %dma_start3A_183 = tpu.memref_slice %arg4[%arg0, %add3A_162, %dma_start3A_182] : memref<2x8000x128xf32, #tpu.memory_space<hbm>> -> memref<1x64x128xf32, #tpu.memory_space<hbm>>
      %dma_start3A_184 = tpu.memref_squeeze %dma_start3A_183 : memref<1x64x128xf32, #tpu.memory_space<hbm>> -> memref<64x128xf32, #tpu.memory_space<hbm>>
      %dma_start3A_185 = arith.constant 0 : i32
      %dma_start3A_186 = tpu.memref_slice %arg4[%arg0, %add3A_162, %dma_start3A_185] : memref<2x8000x128xf32, #tpu.memory_space<hbm>> -> memref<1x64x128xf32, #tpu.memory_space<hbm>>
      %dma_start3A_187 = tpu.memref_squeeze %dma_start3A_186 : memref<1x64x128xf32, #tpu.memory_space<hbm>> -> memref<64x128xf32, #tpu.memory_space<hbm>>
      %dma_start3A_188 = arith.constant 0 : i32
      %dma_start3A_189 = arith.constant 0 : i32
      %dma_start3A_190 = tpu.memref_slice %arg8[%dma_start3A_188, %dma_start3A_189] : memref<64x144xf32, #tpu.memory_space<vmem>> -> memref<64x128xf32, #tpu.memory_space<vmem>>
      tpu.enqueue_dma source(%dma_start3A_190 : memref<64x128xf32, #tpu.memory_space<vmem>>) target(%dma_start3A_187 : memref<64x128xf32, #tpu.memory_space<hbm>>) target_semaphore(%run_scoped3A : memref<!tpu.dma_semaphore, #tpu.memory_space<semaphore_mem>>)
      %dma_wait3A_191 = arith.constant 0 : i32
      %dma_wait3A_192 = arith.constant 0 : i32
      %dma_wait3A_193 = tpu.memref_slice %arg8[%dma_wait3A_191, %dma_wait3A_192] : memref<64x144xf32, #tpu.memory_space<vmem>> -> memref<64x128xf32, #tpu.memory_space<vmem>>
      %dma_wait3A_194 = arith.constant 0 : i32
      %dma_wait3A_195 = tpu.memref_slice %arg4[%arg0, %add3A_162, %dma_wait3A_194] : memref<2x8000x128xf32, #tpu.memory_space<hbm>> -> memref<1x64x128xf32, #tpu.memory_space<hbm>>
      %dma_wait3A_196 = tpu.memref_squeeze %dma_wait3A_195 : memref<1x64x128xf32, #tpu.memory_space<hbm>> -> memref<64x128xf32, #tpu.memory_space<hbm>>
      %dma_wait3A_197 = arith.constant 0 : i32
      %dma_wait3A_198 = tpu.memref_slice %arg4[%arg0, %add3A_162, %dma_wait3A_197] : memref<2x8000x128xf32, #tpu.memory_space<hbm>> -> memref<1x64x128xf32, #tpu.memory_space<hbm>>
      %dma_wait3A_199 = tpu.memref_squeeze %dma_wait3A_198 : memref<1x64x128xf32, #tpu.memory_space<hbm>> -> memref<64x128xf32, #tpu.memory_space<hbm>>
      %dma_wait3A_200 = arith.constant 0 : i32
      %dma_wait3A_201 = arith.constant 0 : i32
      %dma_wait3A_202 = tpu.memref_slice %arg8[%dma_wait3A_200, %dma_wait3A_201] : memref<64x144xf32, #tpu.memory_space<vmem>> -> memref<64x128xf32, #tpu.memory_space<vmem>>
      tpu.wait_dma2 semaphore(%run_scoped3A : memref<!tpu.dma_semaphore, #tpu.memory_space<semaphore_mem>>) src(%dma_wait3A_202 : memref<64x128xf32, #tpu.memory_space<vmem>>) dst(%dma_wait3A_199 : memref<64x128xf32, #tpu.memory_space<hbm>>)
      tpu.yield
    }) : () -> ()
    "tpu.region"() ({
      %run_scoped3A = tpu.sem_alloc : memref<!tpu.dma_semaphore, #tpu.memory_space<semaphore_mem>>
      %dma_start3A_179 = arith.constant 0 : i32
      %dma_start3A_180 = arith.constant 128 : i32
      %dma_start3A_181 = tpu.memref_slice %arg8[%dma_start3A_179, %dma_start3A_180] : memref<64x144xf32, #tpu.memory_space<vmem>> -> memref<64x16xf32, #tpu.memory_space<vmem>>
      %dma_start3A_182 = arith.constant 0 : i32
      %dma_start3A_183 = tpu.memref_slice %arg5[%arg0, %add3A_162, %dma_start3A_182] : memref<2x8000x16xf32, #tpu.memory_space<hbm>> -> memref<1x64x16xf32, #tpu.memory_space<hbm>>
      %dma_start3A_184 = tpu.memref_squeeze %dma_start3A_183 : memref<1x64x16xf32, #tpu.memory_space<hbm>> -> memref<64x16xf32, #tpu.memory_space<hbm>>
      %dma_start3A_185 = arith.constant 0 : i32
      %dma_start3A_186 = tpu.memref_slice %arg5[%arg0, %add3A_162, %dma_start3A_185] : memref<2x8000x16xf32, #tpu.memory_space<hbm>> -> memref<1x64x16xf32, #tpu.memory_space<hbm>>
      %dma_start3A_187 = tpu.memref_squeeze %dma_start3A_186 : memref<1x64x16xf32, #tpu.memory_space<hbm>> -> memref<64x16xf32, #tpu.memory_space<hbm>>
      %dma_start3A_188 = arith.constant 0 : i32
      %dma_start3A_189 = arith.constant 128 : i32
      %dma_start3A_190 = tpu.memref_slice %arg8[%dma_start3A_188, %dma_start3A_189] : memref<64x144xf32, #tpu.memory_space<vmem>> -> memref<64x16xf32, #tpu.memory_space<vmem>>
      tpu.enqueue_dma source(%dma_start3A_190 : memref<64x16xf32, #tpu.memory_space<vmem>>) target(%dma_start3A_187 : memref<64x16xf32, #tpu.memory_space<hbm>>) target_semaphore(%run_scoped3A : memref<!tpu.dma_semaphore, #tpu.memory_space<semaphore_mem>>)
      %dma_wait3A_191 = arith.constant 0 : i32
      %dma_wait3A_192 = arith.constant 128 : i32
      %dma_wait3A_193 = tpu.memref_slice %arg8[%dma_wait3A_191, %dma_wait3A_192] : memref<64x144xf32, #tpu.memory_space<vmem>> -> memref<64x16xf32, #tpu.memory_space<vmem>>
      %dma_wait3A_194 = arith.constant 0 : i32
      %dma_wait3A_195 = tpu.memref_slice %arg5[%arg0, %add3A_162, %dma_wait3A_194] : memref<2x8000x16xf32, #tpu.memory_space<hbm>> -> memref<1x64x16xf32, #tpu.memory_space<hbm>>
      %dma_wait3A_196 = tpu.memref_squeeze %dma_wait3A_195 : memref<1x64x16xf32, #tpu.memory_space<hbm>> -> memref<64x16xf32, #tpu.memory_space<hbm>>
      %dma_wait3A_197 = arith.constant 0 : i32
      %dma_wait3A_198 = tpu.memref_slice %arg5[%arg0, %add3A_162, %dma_wait3A_197] : memref<2x8000x16xf32, #tpu.memory_space<hbm>> -> memref<1x64x16xf32, #tpu.memory_space<hbm>>
      %dma_wait3A_199 = tpu.memref_squeeze %dma_wait3A_198 : memref<1x64x16xf32, #tpu.memory_space<hbm>> -> memref<64x16xf32, #tpu.memory_space<hbm>>
      %dma_wait3A_200 = arith.constant 0 : i32
      %dma_wait3A_201 = arith.constant 128 : i32
      %dma_wait3A_202 = tpu.memref_slice %arg8[%dma_wait3A_200, %dma_wait3A_201] : memref<64x144xf32, #tpu.memory_space<vmem>> -> memref<64x16xf32, #tpu.memory_space<vmem>>
      tpu.wait_dma2 semaphore(%run_scoped3A : memref<!tpu.dma_semaphore, #tpu.memory_space<semaphore_mem>>) src(%dma_wait3A_202 : memref<64x16xf32, #tpu.memory_space<vmem>>) dst(%dma_wait3A_199 : memref<64x16xf32, #tpu.memory_space<hbm>>)
      tpu.yield
    }) : () -> ()
    %mul3A_163 = arith.constant 500 : i32
    %mul3A_164 = arith.muli %arg1, %mul3A_163 : i32
    %add3A_165 = arith.constant 256 : i32
    %add3A_166 = arith.addi %mul3A_164, %add3A_165 : i32
    "tpu.region"() ({
      %run_scoped3A = tpu.sem_alloc : memref<!tpu.dma_semaphore, #tpu.memory_space<semaphore_mem>>
      %dma_start3A_179 = arith.constant 0 : i32
      %dma_start3A_180 = arith.constant 0 : i32
      %dma_start3A_181 = tpu.memref_slice %arg8[%dma_start3A_179, %dma_start3A_180] : memref<64x144xf32, #tpu.memory_space<vmem>> -> memref<64x144xf32, #tpu.memory_space<vmem>>
      %dma_start3A_182 = arith.constant 0 : i32
      %dma_start3A_183 = tpu.memref_slice %arg14[%add3A_166, %dma_start3A_182] : memref<10000x144xf32, #tpu.memory_space<vmem_shared>> -> memref<64x144xf32, #tpu.memory_space<vmem_shared>>
      %dma_start3A_184 = arith.constant 0 : i32
      %dma_start3A_185 = arith.constant 0 : i32
      %dma_start3A_186 = tpu.memref_slice %arg8[%dma_start3A_184, %dma_start3A_185] : memref<64x144xf32, #tpu.memory_space<vmem>> -> memref<64x144xf32, #tpu.memory_space<vmem>>
      %dma_start3A_187 = arith.constant 0 : i32
      %dma_start3A_188 = tpu.memref_slice %arg14[%add3A_166, %dma_start3A_187] : memref<10000x144xf32, #tpu.memory_space<vmem_shared>> -> memref<64x144xf32, #tpu.memory_space<vmem_shared>>
      tpu.enqueue_dma source(%dma_start3A_188 : memref<64x144xf32, #tpu.memory_space<vmem_shared>>) target(%dma_start3A_186 : memref<64x144xf32, #tpu.memory_space<vmem>>) target_semaphore(%run_scoped3A : memref<!tpu.dma_semaphore, #tpu.memory_space<semaphore_mem>>)
      %dma_wait3A_189 = arith.constant 0 : i32
      %dma_wait3A_190 = arith.constant 0 : i32
      %dma_wait3A_191 = tpu.memref_slice %arg8[%dma_wait3A_189, %dma_wait3A_190] : memref<64x144xf32, #tpu.memory_space<vmem>> -> memref<64x144xf32, #tpu.memory_space<vmem>>
      %dma_wait3A_192 = arith.constant 0 : i32
      %dma_wait3A_193 = tpu.memref_slice %arg14[%add3A_166, %dma_wait3A_192] : memref<10000x144xf32, #tpu.memory_space<vmem_shared>> -> memref<64x144xf32, #tpu.memory_space<vmem_shared>>
      %dma_wait3A_194 = arith.constant 0 : i32
      %dma_wait3A_195 = arith.constant 0 : i32
      %dma_wait3A_196 = tpu.memref_slice %arg8[%dma_wait3A_194, %dma_wait3A_195] : memref<64x144xf32, #tpu.memory_space<vmem>> -> memref<64x144xf32, #tpu.memory_space<vmem>>
      %dma_wait3A_197 = arith.constant 0 : i32
      %dma_wait3A_198 = tpu.memref_slice %arg14[%add3A_166, %dma_wait3A_197] : memref<10000x144xf32, #tpu.memory_space<vmem_shared>> -> memref<64x144xf32, #tpu.memory_space<vmem_shared>>
      tpu.wait_dma2 semaphore(%run_scoped3A : memref<!tpu.dma_semaphore, #tpu.memory_space<semaphore_mem>>) src(%dma_wait3A_198 : memref<64x144xf32, #tpu.memory_space<vmem_shared>>) dst(%dma_wait3A_196 : memref<64x144xf32, #tpu.memory_space<vmem>>)
      tpu.yield
    }) : () -> ()
    "tpu.region"() ({
      %run_scoped3A = tpu.sem_alloc : memref<!tpu.dma_semaphore, #tpu.memory_space<semaphore_mem>>
      %dma_start3A_179 = arith.constant 0 : i32
      %dma_start3A_180 = arith.constant 0 : i32
      %dma_start3A_181 = tpu.memref_slice %arg8[%dma_start3A_179, %dma_start3A_180] : memref<64x144xf32, #tpu.memory_space<vmem>> -> memref<64x128xf32, #tpu.memory_space<vmem>>
      %dma_start3A_182 = arith.constant 0 : i32
      %dma_start3A_183 = tpu.memref_slice %arg4[%arg0, %add3A_166, %dma_start3A_182] : memref<2x8000x128xf32, #tpu.memory_space<hbm>> -> memref<1x64x128xf32, #tpu.memory_space<hbm>>
      %dma_start3A_184 = tpu.memref_squeeze %dma_start3A_183 : memref<1x64x128xf32, #tpu.memory_space<hbm>> -> memref<64x128xf32, #tpu.memory_space<hbm>>
      %dma_start3A_185 = arith.constant 0 : i32
      %dma_start3A_186 = tpu.memref_slice %arg4[%arg0, %add3A_166, %dma_start3A_185] : memref<2x8000x128xf32, #tpu.memory_space<hbm>> -> memref<1x64x128xf32, #tpu.memory_space<hbm>>
      %dma_start3A_187 = tpu.memref_squeeze %dma_start3A_186 : memref<1x64x128xf32, #tpu.memory_space<hbm>> -> memref<64x128xf32, #tpu.memory_space<hbm>>
      %dma_start3A_188 = arith.constant 0 : i32
      %dma_start3A_189 = arith.constant 0 : i32
      %dma_start3A_190 = tpu.memref_slice %arg8[%dma_start3A_188, %dma_start3A_189] : memref<64x144xf32, #tpu.memory_space<vmem>> -> memref<64x128xf32, #tpu.memory_space<vmem>>
      tpu.enqueue_dma source(%dma_start3A_190 : memref<64x128xf32, #tpu.memory_space<vmem>>) target(%dma_start3A_187 : memref<64x128xf32, #tpu.memory_space<hbm>>) target_semaphore(%run_scoped3A : memref<!tpu.dma_semaphore, #tpu.memory_space<semaphore_mem>>)
      %dma_wait3A_191 = arith.constant 0 : i32
      %dma_wait3A_192 = arith.constant 0 : i32
      %dma_wait3A_193 = tpu.memref_slice %arg8[%dma_wait3A_191, %dma_wait3A_192] : memref<64x144xf32, #tpu.memory_space<vmem>> -> memref<64x128xf32, #tpu.memory_space<vmem>>
      %dma_wait3A_194 = arith.constant 0 : i32
      %dma_wait3A_195 = tpu.memref_slice %arg4[%arg0, %add3A_166, %dma_wait3A_194] : memref<2x8000x128xf32, #tpu.memory_space<hbm>> -> memref<1x64x128xf32, #tpu.memory_space<hbm>>
      %dma_wait3A_196 = tpu.memref_squeeze %dma_wait3A_195 : memref<1x64x128xf32, #tpu.memory_space<hbm>> -> memref<64x128xf32, #tpu.memory_space<hbm>>
      %dma_wait3A_197 = arith.constant 0 : i32
      %dma_wait3A_198 = tpu.memref_slice %arg4[%arg0, %add3A_166, %dma_wait3A_197] : memref<2x8000x128xf32, #tpu.memory_space<hbm>> -> memref<1x64x128xf32, #tpu.memory_space<hbm>>
      %dma_wait3A_199 = tpu.memref_squeeze %dma_wait3A_198 : memref<1x64x128xf32, #tpu.memory_space<hbm>> -> memref<64x128xf32, #tpu.memory_space<hbm>>
      %dma_wait3A_200 = arith.constant 0 : i32
      %dma_wait3A_201 = arith.constant 0 : i32
      %dma_wait3A_202 = tpu.memref_slice %arg8[%dma_wait3A_200, %dma_wait3A_201] : memref<64x144xf32, #tpu.memory_space<vmem>> -> memref<64x128xf32, #tpu.memory_space<vmem>>
      tpu.wait_dma2 semaphore(%run_scoped3A : memref<!tpu.dma_semaphore, #tpu.memory_space<semaphore_mem>>) src(%dma_wait3A_202 : memref<64x128xf32, #tpu.memory_space<vmem>>) dst(%dma_wait3A_199 : memref<64x128xf32, #tpu.memory_space<hbm>>)
      tpu.yield
    }) : () -> ()
    "tpu.region"() ({
      %run_scoped3A = tpu.sem_alloc : memref<!tpu.dma_semaphore, #tpu.memory_space<semaphore_mem>>
      %dma_start3A_179 = arith.constant 0 : i32
      %dma_start3A_180 = arith.constant 128 : i32
      %dma_start3A_181 = tpu.memref_slice %arg8[%dma_start3A_179, %dma_start3A_180] : memref<64x144xf32, #tpu.memory_space<vmem>> -> memref<64x16xf32, #tpu.memory_space<vmem>>
      %dma_start3A_182 = arith.constant 0 : i32
      %dma_start3A_183 = tpu.memref_slice %arg5[%arg0, %add3A_166, %dma_start3A_182] : memref<2x8000x16xf32, #tpu.memory_space<hbm>> -> memref<1x64x16xf32, #tpu.memory_space<hbm>>
      %dma_start3A_184 = tpu.memref_squeeze %dma_start3A_183 : memref<1x64x16xf32, #tpu.memory_space<hbm>> -> memref<64x16xf32, #tpu.memory_space<hbm>>
      %dma_start3A_185 = arith.constant 0 : i32
      %dma_start3A_186 = tpu.memref_slice %arg5[%arg0, %add3A_166, %dma_start3A_185] : memref<2x8000x16xf32, #tpu.memory_space<hbm>> -> memref<1x64x16xf32, #tpu.memory_space<hbm>>
      %dma_start3A_187 = tpu.memref_squeeze %dma_start3A_186 : memref<1x64x16xf32, #tpu.memory_space<hbm>> -> memref<64x16xf32, #tpu.memory_space<hbm>>
      %dma_start3A_188 = arith.constant 0 : i32
      %dma_start3A_189 = arith.constant 128 : i32
      %dma_start3A_190 = tpu.memref_slice %arg8[%dma_start3A_188, %dma_start3A_189] : memref<64x144xf32, #tpu.memory_space<vmem>> -> memref<64x16xf32, #tpu.memory_space<vmem>>
      tpu.enqueue_dma source(%dma_start3A_190 : memref<64x16xf32, #tpu.memory_space<vmem>>) target(%dma_start3A_187 : memref<64x16xf32, #tpu.memory_space<hbm>>) target_semaphore(%run_scoped3A : memref<!tpu.dma_semaphore, #tpu.memory_space<semaphore_mem>>)
      %dma_wait3A_191 = arith.constant 0 : i32
      %dma_wait3A_192 = arith.constant 128 : i32
      %dma_wait3A_193 = tpu.memref_slice %arg8[%dma_wait3A_191, %dma_wait3A_192] : memref<64x144xf32, #tpu.memory_space<vmem>> -> memref<64x16xf32, #tpu.memory_space<vmem>>
      %dma_wait3A_194 = arith.constant 0 : i32
      %dma_wait3A_195 = tpu.memref_slice %arg5[%arg0, %add3A_166, %dma_wait3A_194] : memref<2x8000x16xf32, #tpu.memory_space<hbm>> -> memref<1x64x16xf32, #tpu.memory_space<hbm>>
      %dma_wait3A_196 = tpu.memref_squeeze %dma_wait3A_195 : memref<1x64x16xf32, #tpu.memory_space<hbm>> -> memref<64x16xf32, #tpu.memory_space<hbm>>
      %dma_wait3A_197 = arith.constant 0 : i32
      %dma_wait3A_198 = tpu.memref_slice %arg5[%arg0, %add3A_166, %dma_wait3A_197] : memref<2x8000x16xf32, #tpu.memory_space<hbm>> -> memref<1x64x16xf32, #tpu.memory_space<hbm>>
      %dma_wait3A_199 = tpu.memref_squeeze %dma_wait3A_198 : memref<1x64x16xf32, #tpu.memory_space<hbm>> -> memref<64x16xf32, #tpu.memory_space<hbm>>
      %dma_wait3A_200 = arith.constant 0 : i32
      %dma_wait3A_201 = arith.constant 128 : i32
      %dma_wait3A_202 = tpu.memref_slice %arg8[%dma_wait3A_200, %dma_wait3A_201] : memref<64x144xf32, #tpu.memory_space<vmem>> -> memref<64x16xf32, #tpu.memory_space<vmem>>
      tpu.wait_dma2 semaphore(%run_scoped3A : memref<!tpu.dma_semaphore, #tpu.memory_space<semaphore_mem>>) src(%dma_wait3A_202 : memref<64x16xf32, #tpu.memory_space<vmem>>) dst(%dma_wait3A_199 : memref<64x16xf32, #tpu.memory_space<hbm>>)
      tpu.yield
    }) : () -> ()
    %mul3A_167 = arith.constant 500 : i32
    %mul3A_168 = arith.muli %arg1, %mul3A_167 : i32
    %add3A_169 = arith.constant 320 : i32
    %add3A_170 = arith.addi %mul3A_168, %add3A_169 : i32
    "tpu.region"() ({
      %run_scoped3A = tpu.sem_alloc : memref<!tpu.dma_semaphore, #tpu.memory_space<semaphore_mem>>
      %dma_start3A_179 = arith.constant 0 : i32
      %dma_start3A_180 = arith.constant 0 : i32
      %dma_start3A_181 = tpu.memref_slice %arg8[%dma_start3A_179, %dma_start3A_180] : memref<64x144xf32, #tpu.memory_space<vmem>> -> memref<64x144xf32, #tpu.memory_space<vmem>>
      %dma_start3A_182 = arith.constant 0 : i32
      %dma_start3A_183 = tpu.memref_slice %arg14[%add3A_170, %dma_start3A_182] : memref<10000x144xf32, #tpu.memory_space<vmem_shared>> -> memref<64x144xf32, #tpu.memory_space<vmem_shared>>
      %dma_start3A_184 = arith.constant 0 : i32
      %dma_start3A_185 = arith.constant 0 : i32
      %dma_start3A_186 = tpu.memref_slice %arg8[%dma_start3A_184, %dma_start3A_185] : memref<64x144xf32, #tpu.memory_space<vmem>> -> memref<64x144xf32, #tpu.memory_space<vmem>>
      %dma_start3A_187 = arith.constant 0 : i32
      %dma_start3A_188 = tpu.memref_slice %arg14[%add3A_170, %dma_start3A_187] : memref<10000x144xf32, #tpu.memory_space<vmem_shared>> -> memref<64x144xf32, #tpu.memory_space<vmem_shared>>
      tpu.enqueue_dma source(%dma_start3A_188 : memref<64x144xf32, #tpu.memory_space<vmem_shared>>) target(%dma_start3A_186 : memref<64x144xf32, #tpu.memory_space<vmem>>) target_semaphore(%run_scoped3A : memref<!tpu.dma_semaphore, #tpu.memory_space<semaphore_mem>>)
      %dma_wait3A_189 = arith.constant 0 : i32
      %dma_wait3A_190 = arith.constant 0 : i32
      %dma_wait3A_191 = tpu.memref_slice %arg8[%dma_wait3A_189, %dma_wait3A_190] : memref<64x144xf32, #tpu.memory_space<vmem>> -> memref<64x144xf32, #tpu.memory_space<vmem>>
      %dma_wait3A_192 = arith.constant 0 : i32
      %dma_wait3A_193 = tpu.memref_slice %arg14[%add3A_170, %dma_wait3A_192] : memref<10000x144xf32, #tpu.memory_space<vmem_shared>> -> memref<64x144xf32, #tpu.memory_space<vmem_shared>>
      %dma_wait3A_194 = arith.constant 0 : i32
      %dma_wait3A_195 = arith.constant 0 : i32
      %dma_wait3A_196 = tpu.memref_slice %arg8[%dma_wait3A_194, %dma_wait3A_195] : memref<64x144xf32, #tpu.memory_space<vmem>> -> memref<64x144xf32, #tpu.memory_space<vmem>>
      %dma_wait3A_197 = arith.constant 0 : i32
      %dma_wait3A_198 = tpu.memref_slice %arg14[%add3A_170, %dma_wait3A_197] : memref<10000x144xf32, #tpu.memory_space<vmem_shared>> -> memref<64x144xf32, #tpu.memory_space<vmem_shared>>
      tpu.wait_dma2 semaphore(%run_scoped3A : memref<!tpu.dma_semaphore, #tpu.memory_space<semaphore_mem>>) src(%dma_wait3A_198 : memref<64x144xf32, #tpu.memory_space<vmem_shared>>) dst(%dma_wait3A_196 : memref<64x144xf32, #tpu.memory_space<vmem>>)
      tpu.yield
    }) : () -> ()
    "tpu.region"() ({
      %run_scoped3A = tpu.sem_alloc : memref<!tpu.dma_semaphore, #tpu.memory_space<semaphore_mem>>
      %dma_start3A_179 = arith.constant 0 : i32
      %dma_start3A_180 = arith.constant 0 : i32
      %dma_start3A_181 = tpu.memref_slice %arg8[%dma_start3A_179, %dma_start3A_180] : memref<64x144xf32, #tpu.memory_space<vmem>> -> memref<64x128xf32, #tpu.memory_space<vmem>>
      %dma_start3A_182 = arith.constant 0 : i32
      %dma_start3A_183 = tpu.memref_slice %arg4[%arg0, %add3A_170, %dma_start3A_182] : memref<2x8000x128xf32, #tpu.memory_space<hbm>> -> memref<1x64x128xf32, #tpu.memory_space<hbm>>
      %dma_start3A_184 = tpu.memref_squeeze %dma_start3A_183 : memref<1x64x128xf32, #tpu.memory_space<hbm>> -> memref<64x128xf32, #tpu.memory_space<hbm>>
      %dma_start3A_185 = arith.constant 0 : i32
      %dma_start3A_186 = tpu.memref_slice %arg4[%arg0, %add3A_170, %dma_start3A_185] : memref<2x8000x128xf32, #tpu.memory_space<hbm>> -> memref<1x64x128xf32, #tpu.memory_space<hbm>>
      %dma_start3A_187 = tpu.memref_squeeze %dma_start3A_186 : memref<1x64x128xf32, #tpu.memory_space<hbm>> -> memref<64x128xf32, #tpu.memory_space<hbm>>
      %dma_start3A_188 = arith.constant 0 : i32
      %dma_start3A_189 = arith.constant 0 : i32
      %dma_start3A_190 = tpu.memref_slice %arg8[%dma_start3A_188, %dma_start3A_189] : memref<64x144xf32, #tpu.memory_space<vmem>> -> memref<64x128xf32, #tpu.memory_space<vmem>>
      tpu.enqueue_dma source(%dma_start3A_190 : memref<64x128xf32, #tpu.memory_space<vmem>>) target(%dma_start3A_187 : memref<64x128xf32, #tpu.memory_space<hbm>>) target_semaphore(%run_scoped3A : memref<!tpu.dma_semaphore, #tpu.memory_space<semaphore_mem>>)
      %dma_wait3A_191 = arith.constant 0 : i32
      %dma_wait3A_192 = arith.constant 0 : i32
      %dma_wait3A_193 = tpu.memref_slice %arg8[%dma_wait3A_191, %dma_wait3A_192] : memref<64x144xf32, #tpu.memory_space<vmem>> -> memref<64x128xf32, #tpu.memory_space<vmem>>
      %dma_wait3A_194 = arith.constant 0 : i32
      %dma_wait3A_195 = tpu.memref_slice %arg4[%arg0, %add3A_170, %dma_wait3A_194] : memref<2x8000x128xf32, #tpu.memory_space<hbm>> -> memref<1x64x128xf32, #tpu.memory_space<hbm>>
      %dma_wait3A_196 = tpu.memref_squeeze %dma_wait3A_195 : memref<1x64x128xf32, #tpu.memory_space<hbm>> -> memref<64x128xf32, #tpu.memory_space<hbm>>
      %dma_wait3A_197 = arith.constant 0 : i32
      %dma_wait3A_198 = tpu.memref_slice %arg4[%arg0, %add3A_170, %dma_wait3A_197] : memref<2x8000x128xf32, #tpu.memory_space<hbm>> -> memref<1x64x128xf32, #tpu.memory_space<hbm>>
      %dma_wait3A_199 = tpu.memref_squeeze %dma_wait3A_198 : memref<1x64x128xf32, #tpu.memory_space<hbm>> -> memref<64x128xf32, #tpu.memory_space<hbm>>
      %dma_wait3A_200 = arith.constant 0 : i32
      %dma_wait3A_201 = arith.constant 0 : i32
      %dma_wait3A_202 = tpu.memref_slice %arg8[%dma_wait3A_200, %dma_wait3A_201] : memref<64x144xf32, #tpu.memory_space<vmem>> -> memref<64x128xf32, #tpu.memory_space<vmem>>
      tpu.wait_dma2 semaphore(%run_scoped3A : memref<!tpu.dma_semaphore, #tpu.memory_space<semaphore_mem>>) src(%dma_wait3A_202 : memref<64x128xf32, #tpu.memory_space<vmem>>) dst(%dma_wait3A_199 : memref<64x128xf32, #tpu.memory_space<hbm>>)
      tpu.yield
    }) : () -> ()
    "tpu.region"() ({
      %run_scoped3A = tpu.sem_alloc : memref<!tpu.dma_semaphore, #tpu.memory_space<semaphore_mem>>
      %dma_start3A_179 = arith.constant 0 : i32
      %dma_start3A_180 = arith.constant 128 : i32
      %dma_start3A_181 = tpu.memref_slice %arg8[%dma_start3A_179, %dma_start3A_180] : memref<64x144xf32, #tpu.memory_space<vmem>> -> memref<64x16xf32, #tpu.memory_space<vmem>>
      %dma_start3A_182 = arith.constant 0 : i32
      %dma_start3A_183 = tpu.memref_slice %arg5[%arg0, %add3A_170, %dma_start3A_182] : memref<2x8000x16xf32, #tpu.memory_space<hbm>> -> memref<1x64x16xf32, #tpu.memory_space<hbm>>
      %dma_start3A_184 = tpu.memref_squeeze %dma_start3A_183 : memref<1x64x16xf32, #tpu.memory_space<hbm>> -> memref<64x16xf32, #tpu.memory_space<hbm>>
      %dma_start3A_185 = arith.constant 0 : i32
      %dma_start3A_186 = tpu.memref_slice %arg5[%arg0, %add3A_170, %dma_start3A_185] : memref<2x8000x16xf32, #tpu.memory_space<hbm>> -> memref<1x64x16xf32, #tpu.memory_space<hbm>>
      %dma_start3A_187 = tpu.memref_squeeze %dma_start3A_186 : memref<1x64x16xf32, #tpu.memory_space<hbm>> -> memref<64x16xf32, #tpu.memory_space<hbm>>
      %dma_start3A_188 = arith.constant 0 : i32
      %dma_start3A_189 = arith.constant 128 : i32
      %dma_start3A_190 = tpu.memref_slice %arg8[%dma_start3A_188, %dma_start3A_189] : memref<64x144xf32, #tpu.memory_space<vmem>> -> memref<64x16xf32, #tpu.memory_space<vmem>>
      tpu.enqueue_dma source(%dma_start3A_190 : memref<64x16xf32, #tpu.memory_space<vmem>>) target(%dma_start3A_187 : memref<64x16xf32, #tpu.memory_space<hbm>>) target_semaphore(%run_scoped3A : memref<!tpu.dma_semaphore, #tpu.memory_space<semaphore_mem>>)
      %dma_wait3A_191 = arith.constant 0 : i32
      %dma_wait3A_192 = arith.constant 128 : i32
      %dma_wait3A_193 = tpu.memref_slice %arg8[%dma_wait3A_191, %dma_wait3A_192] : memref<64x144xf32, #tpu.memory_space<vmem>> -> memref<64x16xf32, #tpu.memory_space<vmem>>
      %dma_wait3A_194 = arith.constant 0 : i32
      %dma_wait3A_195 = tpu.memref_slice %arg5[%arg0, %add3A_170, %dma_wait3A_194] : memref<2x8000x16xf32, #tpu.memory_space<hbm>> -> memref<1x64x16xf32, #tpu.memory_space<hbm>>
      %dma_wait3A_196 = tpu.memref_squeeze %dma_wait3A_195 : memref<1x64x16xf32, #tpu.memory_space<hbm>> -> memref<64x16xf32, #tpu.memory_space<hbm>>
      %dma_wait3A_197 = arith.constant 0 : i32
      %dma_wait3A_198 = tpu.memref_slice %arg5[%arg0, %add3A_170, %dma_wait3A_197] : memref<2x8000x16xf32, #tpu.memory_space<hbm>> -> memref<1x64x16xf32, #tpu.memory_space<hbm>>
      %dma_wait3A_199 = tpu.memref_squeeze %dma_wait3A_198 : memref<1x64x16xf32, #tpu.memory_space<hbm>> -> memref<64x16xf32, #tpu.memory_space<hbm>>
      %dma_wait3A_200 = arith.constant 0 : i32
      %dma_wait3A_201 = arith.constant 128 : i32
      %dma_wait3A_202 = tpu.memref_slice %arg8[%dma_wait3A_200, %dma_wait3A_201] : memref<64x144xf32, #tpu.memory_space<vmem>> -> memref<64x16xf32, #tpu.memory_space<vmem>>
      tpu.wait_dma2 semaphore(%run_scoped3A : memref<!tpu.dma_semaphore, #tpu.memory_space<semaphore_mem>>) src(%dma_wait3A_202 : memref<64x16xf32, #tpu.memory_space<vmem>>) dst(%dma_wait3A_199 : memref<64x16xf32, #tpu.memory_space<hbm>>)
      tpu.yield
    }) : () -> ()
    %mul3A_171 = arith.constant 500 : i32
    %mul3A_172 = arith.muli %arg1, %mul3A_171 : i32
    %add3A_173 = arith.constant 384 : i32
    %add3A_174 = arith.addi %mul3A_172, %add3A_173 : i32
    "tpu.region"() ({
      %run_scoped3A = tpu.sem_alloc : memref<!tpu.dma_semaphore, #tpu.memory_space<semaphore_mem>>
      %dma_start3A_179 = arith.constant 0 : i32
      %dma_start3A_180 = arith.constant 0 : i32
      %dma_start3A_181 = tpu.memref_slice %arg8[%dma_start3A_179, %dma_start3A_180] : memref<64x144xf32, #tpu.memory_space<vmem>> -> memref<64x144xf32, #tpu.memory_space<vmem>>
      %dma_start3A_182 = arith.constant 0 : i32
      %dma_start3A_183 = tpu.memref_slice %arg14[%add3A_174, %dma_start3A_182] : memref<10000x144xf32, #tpu.memory_space<vmem_shared>> -> memref<64x144xf32, #tpu.memory_space<vmem_shared>>
      %dma_start3A_184 = arith.constant 0 : i32
      %dma_start3A_185 = arith.constant 0 : i32
      %dma_start3A_186 = tpu.memref_slice %arg8[%dma_start3A_184, %dma_start3A_185] : memref<64x144xf32, #tpu.memory_space<vmem>> -> memref<64x144xf32, #tpu.memory_space<vmem>>
      %dma_start3A_187 = arith.constant 0 : i32
      %dma_start3A_188 = tpu.memref_slice %arg14[%add3A_174, %dma_start3A_187] : memref<10000x144xf32, #tpu.memory_space<vmem_shared>> -> memref<64x144xf32, #tpu.memory_space<vmem_shared>>
      tpu.enqueue_dma source(%dma_start3A_188 : memref<64x144xf32, #tpu.memory_space<vmem_shared>>) target(%dma_start3A_186 : memref<64x144xf32, #tpu.memory_space<vmem>>) target_semaphore(%run_scoped3A : memref<!tpu.dma_semaphore, #tpu.memory_space<semaphore_mem>>)
      %dma_wait3A_189 = arith.constant 0 : i32
      %dma_wait3A_190 = arith.constant 0 : i32
      %dma_wait3A_191 = tpu.memref_slice %arg8[%dma_wait3A_189, %dma_wait3A_190] : memref<64x144xf32, #tpu.memory_space<vmem>> -> memref<64x144xf32, #tpu.memory_space<vmem>>
      %dma_wait3A_192 = arith.constant 0 : i32
      %dma_wait3A_193 = tpu.memref_slice %arg14[%add3A_174, %dma_wait3A_192] : memref<10000x144xf32, #tpu.memory_space<vmem_shared>> -> memref<64x144xf32, #tpu.memory_space<vmem_shared>>
      %dma_wait3A_194 = arith.constant 0 : i32
      %dma_wait3A_195 = arith.constant 0 : i32
      %dma_wait3A_196 = tpu.memref_slice %arg8[%dma_wait3A_194, %dma_wait3A_195] : memref<64x144xf32, #tpu.memory_space<vmem>> -> memref<64x144xf32, #tpu.memory_space<vmem>>
      %dma_wait3A_197 = arith.constant 0 : i32
      %dma_wait3A_198 = tpu.memref_slice %arg14[%add3A_174, %dma_wait3A_197] : memref<10000x144xf32, #tpu.memory_space<vmem_shared>> -> memref<64x144xf32, #tpu.memory_space<vmem_shared>>
      tpu.wait_dma2 semaphore(%run_scoped3A : memref<!tpu.dma_semaphore, #tpu.memory_space<semaphore_mem>>) src(%dma_wait3A_198 : memref<64x144xf32, #tpu.memory_space<vmem_shared>>) dst(%dma_wait3A_196 : memref<64x144xf32, #tpu.memory_space<vmem>>)
      tpu.yield
    }) : () -> ()
    "tpu.region"() ({
      %run_scoped3A = tpu.sem_alloc : memref<!tpu.dma_semaphore, #tpu.memory_space<semaphore_mem>>
      %dma_start3A_179 = arith.constant 0 : i32
      %dma_start3A_180 = arith.constant 0 : i32
      %dma_start3A_181 = tpu.memref_slice %arg8[%dma_start3A_179, %dma_start3A_180] : memref<64x144xf32, #tpu.memory_space<vmem>> -> memref<64x128xf32, #tpu.memory_space<vmem>>
      %dma_start3A_182 = arith.constant 0 : i32
      %dma_start3A_183 = tpu.memref_slice %arg4[%arg0, %add3A_174, %dma_start3A_182] : memref<2x8000x128xf32, #tpu.memory_space<hbm>> -> memref<1x64x128xf32, #tpu.memory_space<hbm>>
      %dma_start3A_184 = tpu.memref_squeeze %dma_start3A_183 : memref<1x64x128xf32, #tpu.memory_space<hbm>> -> memref<64x128xf32, #tpu.memory_space<hbm>>
      %dma_start3A_185 = arith.constant 0 : i32
      %dma_start3A_186 = tpu.memref_slice %arg4[%arg0, %add3A_174, %dma_start3A_185] : memref<2x8000x128xf32, #tpu.memory_space<hbm>> -> memref<1x64x128xf32, #tpu.memory_space<hbm>>
      %dma_start3A_187 = tpu.memref_squeeze %dma_start3A_186 : memref<1x64x128xf32, #tpu.memory_space<hbm>> -> memref<64x128xf32, #tpu.memory_space<hbm>>
      %dma_start3A_188 = arith.constant 0 : i32
      %dma_start3A_189 = arith.constant 0 : i32
      %dma_start3A_190 = tpu.memref_slice %arg8[%dma_start3A_188, %dma_start3A_189] : memref<64x144xf32, #tpu.memory_space<vmem>> -> memref<64x128xf32, #tpu.memory_space<vmem>>
      tpu.enqueue_dma source(%dma_start3A_190 : memref<64x128xf32, #tpu.memory_space<vmem>>) target(%dma_start3A_187 : memref<64x128xf32, #tpu.memory_space<hbm>>) target_semaphore(%run_scoped3A : memref<!tpu.dma_semaphore, #tpu.memory_space<semaphore_mem>>)
      %dma_wait3A_191 = arith.constant 0 : i32
      %dma_wait3A_192 = arith.constant 0 : i32
      %dma_wait3A_193 = tpu.memref_slice %arg8[%dma_wait3A_191, %dma_wait3A_192] : memref<64x144xf32, #tpu.memory_space<vmem>> -> memref<64x128xf32, #tpu.memory_space<vmem>>
      %dma_wait3A_194 = arith.constant 0 : i32
      %dma_wait3A_195 = tpu.memref_slice %arg4[%arg0, %add3A_174, %dma_wait3A_194] : memref<2x8000x128xf32, #tpu.memory_space<hbm>> -> memref<1x64x128xf32, #tpu.memory_space<hbm>>
      %dma_wait3A_196 = tpu.memref_squeeze %dma_wait3A_195 : memref<1x64x128xf32, #tpu.memory_space<hbm>> -> memref<64x128xf32, #tpu.memory_space<hbm>>
      %dma_wait3A_197 = arith.constant 0 : i32
      %dma_wait3A_198 = tpu.memref_slice %arg4[%arg0, %add3A_174, %dma_wait3A_197] : memref<2x8000x128xf32, #tpu.memory_space<hbm>> -> memref<1x64x128xf32, #tpu.memory_space<hbm>>
      %dma_wait3A_199 = tpu.memref_squeeze %dma_wait3A_198 : memref<1x64x128xf32, #tpu.memory_space<hbm>> -> memref<64x128xf32, #tpu.memory_space<hbm>>
      %dma_wait3A_200 = arith.constant 0 : i32
      %dma_wait3A_201 = arith.constant 0 : i32
      %dma_wait3A_202 = tpu.memref_slice %arg8[%dma_wait3A_200, %dma_wait3A_201] : memref<64x144xf32, #tpu.memory_space<vmem>> -> memref<64x128xf32, #tpu.memory_space<vmem>>
      tpu.wait_dma2 semaphore(%run_scoped3A : memref<!tpu.dma_semaphore, #tpu.memory_space<semaphore_mem>>) src(%dma_wait3A_202 : memref<64x128xf32, #tpu.memory_space<vmem>>) dst(%dma_wait3A_199 : memref<64x128xf32, #tpu.memory_space<hbm>>)
      tpu.yield
    }) : () -> ()
    "tpu.region"() ({
      %run_scoped3A = tpu.sem_alloc : memref<!tpu.dma_semaphore, #tpu.memory_space<semaphore_mem>>
      %dma_start3A_179 = arith.constant 0 : i32
      %dma_start3A_180 = arith.constant 128 : i32
      %dma_start3A_181 = tpu.memref_slice %arg8[%dma_start3A_179, %dma_start3A_180] : memref<64x144xf32, #tpu.memory_space<vmem>> -> memref<64x16xf32, #tpu.memory_space<vmem>>
      %dma_start3A_182 = arith.constant 0 : i32
      %dma_start3A_183 = tpu.memref_slice %arg5[%arg0, %add3A_174, %dma_start3A_182] : memref<2x8000x16xf32, #tpu.memory_space<hbm>> -> memref<1x64x16xf32, #tpu.memory_space<hbm>>
      %dma_start3A_184 = tpu.memref_squeeze %dma_start3A_183 : memref<1x64x16xf32, #tpu.memory_space<hbm>> -> memref<64x16xf32, #tpu.memory_space<hbm>>
      %dma_start3A_185 = arith.constant 0 : i32
      %dma_start3A_186 = tpu.memref_slice %arg5[%arg0, %add3A_174, %dma_start3A_185] : memref<2x8000x16xf32, #tpu.memory_space<hbm>> -> memref<1x64x16xf32, #tpu.memory_space<hbm>>
      %dma_start3A_187 = tpu.memref_squeeze %dma_start3A_186 : memref<1x64x16xf32, #tpu.memory_space<hbm>> -> memref<64x16xf32, #tpu.memory_space<hbm>>
      %dma_start3A_188 = arith.constant 0 : i32
      %dma_start3A_189 = arith.constant 128 : i32
      %dma_start3A_190 = tpu.memref_slice %arg8[%dma_start3A_188, %dma_start3A_189] : memref<64x144xf32, #tpu.memory_space<vmem>> -> memref<64x16xf32, #tpu.memory_space<vmem>>
      tpu.enqueue_dma source(%dma_start3A_190 : memref<64x16xf32, #tpu.memory_space<vmem>>) target(%dma_start3A_187 : memref<64x16xf32, #tpu.memory_space<hbm>>) target_semaphore(%run_scoped3A : memref<!tpu.dma_semaphore, #tpu.memory_space<semaphore_mem>>)
      %dma_wait3A_191 = arith.constant 0 : i32
      %dma_wait3A_192 = arith.constant 128 : i32
      %dma_wait3A_193 = tpu.memref_slice %arg8[%dma_wait3A_191, %dma_wait3A_192] : memref<64x144xf32, #tpu.memory_space<vmem>> -> memref<64x16xf32, #tpu.memory_space<vmem>>
      %dma_wait3A_194 = arith.constant 0 : i32
      %dma_wait3A_195 = tpu.memref_slice %arg5[%arg0, %add3A_174, %dma_wait3A_194] : memref<2x8000x16xf32, #tpu.memory_space<hbm>> -> memref<1x64x16xf32, #tpu.memory_space<hbm>>
      %dma_wait3A_196 = tpu.memref_squeeze %dma_wait3A_195 : memref<1x64x16xf32, #tpu.memory_space<hbm>> -> memref<64x16xf32, #tpu.memory_space<hbm>>
      %dma_wait3A_197 = arith.constant 0 : i32
      %dma_wait3A_198 = tpu.memref_slice %arg5[%arg0, %add3A_174, %dma_wait3A_197] : memref<2x8000x16xf32, #tpu.memory_space<hbm>> -> memref<1x64x16xf32, #tpu.memory_space<hbm>>
      %dma_wait3A_199 = tpu.memref_squeeze %dma_wait3A_198 : memref<1x64x16xf32, #tpu.memory_space<hbm>> -> memref<64x16xf32, #tpu.memory_space<hbm>>
      %dma_wait3A_200 = arith.constant 0 : i32
      %dma_wait3A_201 = arith.constant 128 : i32
      %dma_wait3A_202 = tpu.memref_slice %arg8[%dma_wait3A_200, %dma_wait3A_201] : memref<64x144xf32, #tpu.memory_space<vmem>> -> memref<64x16xf32, #tpu.memory_space<vmem>>
      tpu.wait_dma2 semaphore(%run_scoped3A : memref<!tpu.dma_semaphore, #tpu.memory_space<semaphore_mem>>) src(%dma_wait3A_202 : memref<64x16xf32, #tpu.memory_space<vmem>>) dst(%dma_wait3A_199 : memref<64x16xf32, #tpu.memory_space<hbm>>)
      tpu.yield
    }) : () -> ()
    %mul3A_175 = arith.constant 500 : i32
    %mul3A_176 = arith.muli %arg1, %mul3A_175 : i32
    %add3A_177 = arith.constant 448 : i32
    %add3A_178 = arith.addi %mul3A_176, %add3A_177 : i32
    "tpu.region"() ({
      %run_scoped3A = tpu.sem_alloc : memref<!tpu.dma_semaphore, #tpu.memory_space<semaphore_mem>>
      %dma_start3A_179 = arith.constant 0 : i32
      %dma_start3A_180 = arith.constant 0 : i32
      %dma_start3A_181 = tpu.memref_slice %arg8[%dma_start3A_179, %dma_start3A_180] : memref<64x144xf32, #tpu.memory_space<vmem>> -> memref<52x144xf32, #tpu.memory_space<vmem>>
      %dma_start3A_182 = arith.constant 0 : i32
      %dma_start3A_183 = tpu.memref_slice %arg14[%add3A_178, %dma_start3A_182] : memref<10000x144xf32, #tpu.memory_space<vmem_shared>> -> memref<52x144xf32, #tpu.memory_space<vmem_shared>>
      %dma_start3A_184 = arith.constant 0 : i32
      %dma_start3A_185 = arith.constant 0 : i32
      %dma_start3A_186 = tpu.memref_slice %arg8[%dma_start3A_184, %dma_start3A_185] : memref<64x144xf32, #tpu.memory_space<vmem>> -> memref<52x144xf32, #tpu.memory_space<vmem>>
      %dma_start3A_187 = arith.constant 0 : i32
      %dma_start3A_188 = tpu.memref_slice %arg14[%add3A_178, %dma_start3A_187] : memref<10000x144xf32, #tpu.memory_space<vmem_shared>> -> memref<52x144xf32, #tpu.memory_space<vmem_shared>>
      tpu.enqueue_dma source(%dma_start3A_188 : memref<52x144xf32, #tpu.memory_space<vmem_shared>>) target(%dma_start3A_186 : memref<52x144xf32, #tpu.memory_space<vmem>>) target_semaphore(%run_scoped3A : memref<!tpu.dma_semaphore, #tpu.memory_space<semaphore_mem>>)
      %dma_wait3A_189 = arith.constant 0 : i32
      %dma_wait3A_190 = arith.constant 0 : i32
      %dma_wait3A_191 = tpu.memref_slice %arg8[%dma_wait3A_189, %dma_wait3A_190] : memref<64x144xf32, #tpu.memory_space<vmem>> -> memref<52x144xf32, #tpu.memory_space<vmem>>
      %dma_wait3A_192 = arith.constant 0 : i32
      %dma_wait3A_193 = tpu.memref_slice %arg14[%add3A_178, %dma_wait3A_192] : memref<10000x144xf32, #tpu.memory_space<vmem_shared>> -> memref<52x144xf32, #tpu.memory_space<vmem_shared>>
      %dma_wait3A_194 = arith.constant 0 : i32
      %dma_wait3A_195 = arith.constant 0 : i32
      %dma_wait3A_196 = tpu.memref_slice %arg8[%dma_wait3A_194, %dma_wait3A_195] : memref<64x144xf32, #tpu.memory_space<vmem>> -> memref<52x144xf32, #tpu.memory_space<vmem>>
      %dma_wait3A_197 = arith.constant 0 : i32
      %dma_wait3A_198 = tpu.memref_slice %arg14[%add3A_178, %dma_wait3A_197] : memref<10000x144xf32, #tpu.memory_space<vmem_shared>> -> memref<52x144xf32, #tpu.memory_space<vmem_shared>>
      tpu.wait_dma2 semaphore(%run_scoped3A : memref<!tpu.dma_semaphore, #tpu.memory_space<semaphore_mem>>) src(%dma_wait3A_198 : memref<52x144xf32, #tpu.memory_space<vmem_shared>>) dst(%dma_wait3A_196 : memref<52x144xf32, #tpu.memory_space<vmem>>)
      tpu.yield
    }) : () -> ()
    "tpu.region"() ({
      %run_scoped3A = tpu.sem_alloc : memref<!tpu.dma_semaphore, #tpu.memory_space<semaphore_mem>>
      %dma_start3A_179 = arith.constant 0 : i32
      %dma_start3A_180 = arith.constant 0 : i32
      %dma_start3A_181 = tpu.memref_slice %arg8[%dma_start3A_179, %dma_start3A_180] : memref<64x144xf32, #tpu.memory_space<vmem>> -> memref<52x128xf32, #tpu.memory_space<vmem>>
      %dma_start3A_182 = arith.constant 0 : i32
      %dma_start3A_183 = tpu.memref_slice %arg4[%arg0, %add3A_178, %dma_start3A_182] : memref<2x8000x128xf32, #tpu.memory_space<hbm>> -> memref<1x52x128xf32, #tpu.memory_space<hbm>>
      %dma_start3A_184 = tpu.memref_squeeze %dma_start3A_183 : memref<1x52x128xf32, #tpu.memory_space<hbm>> -> memref<52x128xf32, #tpu.memory_space<hbm>>
      %dma_start3A_185 = arith.constant 0 : i32
      %dma_start3A_186 = tpu.memref_slice %arg4[%arg0, %add3A_178, %dma_start3A_185] : memref<2x8000x128xf32, #tpu.memory_space<hbm>> -> memref<1x52x128xf32, #tpu.memory_space<hbm>>
      %dma_start3A_187 = tpu.memref_squeeze %dma_start3A_186 : memref<1x52x128xf32, #tpu.memory_space<hbm>> -> memref<52x128xf32, #tpu.memory_space<hbm>>
      %dma_start3A_188 = arith.constant 0 : i32
      %dma_start3A_189 = arith.constant 0 : i32
      %dma_start3A_190 = tpu.memref_slice %arg8[%dma_start3A_188, %dma_start3A_189] : memref<64x144xf32, #tpu.memory_space<vmem>> -> memref<52x128xf32, #tpu.memory_space<vmem>>
      tpu.enqueue_dma source(%dma_start3A_190 : memref<52x128xf32, #tpu.memory_space<vmem>>) target(%dma_start3A_187 : memref<52x128xf32, #tpu.memory_space<hbm>>) target_semaphore(%run_scoped3A : memref<!tpu.dma_semaphore, #tpu.memory_space<semaphore_mem>>)
      %dma_wait3A_191 = arith.constant 0 : i32
      %dma_wait3A_192 = arith.constant 0 : i32
      %dma_wait3A_193 = tpu.memref_slice %arg8[%dma_wait3A_191, %dma_wait3A_192] : memref<64x144xf32, #tpu.memory_space<vmem>> -> memref<52x128xf32, #tpu.memory_space<vmem>>
      %dma_wait3A_194 = arith.constant 0 : i32
      %dma_wait3A_195 = tpu.memref_slice %arg4[%arg0, %add3A_178, %dma_wait3A_194] : memref<2x8000x128xf32, #tpu.memory_space<hbm>> -> memref<1x52x128xf32, #tpu.memory_space<hbm>>
      %dma_wait3A_196 = tpu.memref_squeeze %dma_wait3A_195 : memref<1x52x128xf32, #tpu.memory_space<hbm>> -> memref<52x128xf32, #tpu.memory_space<hbm>>
      %dma_wait3A_197 = arith.constant 0 : i32
      %dma_wait3A_198 = tpu.memref_slice %arg4[%arg0, %add3A_178, %dma_wait3A_197] : memref<2x8000x128xf32, #tpu.memory_space<hbm>> -> memref<1x52x128xf32, #tpu.memory_space<hbm>>
      %dma_wait3A_199 = tpu.memref_squeeze %dma_wait3A_198 : memref<1x52x128xf32, #tpu.memory_space<hbm>> -> memref<52x128xf32, #tpu.memory_space<hbm>>
      %dma_wait3A_200 = arith.constant 0 : i32
      %dma_wait3A_201 = arith.constant 0 : i32
      %dma_wait3A_202 = tpu.memref_slice %arg8[%dma_wait3A_200, %dma_wait3A_201] : memref<64x144xf32, #tpu.memory_space<vmem>> -> memref<52x128xf32, #tpu.memory_space<vmem>>
      tpu.wait_dma2 semaphore(%run_scoped3A : memref<!tpu.dma_semaphore, #tpu.memory_space<semaphore_mem>>) src(%dma_wait3A_202 : memref<52x128xf32, #tpu.memory_space<vmem>>) dst(%dma_wait3A_199 : memref<52x128xf32, #tpu.memory_space<hbm>>)
      tpu.yield
    }) : () -> ()
    "tpu.region"() ({
      %run_scoped3A = tpu.sem_alloc : memref<!tpu.dma_semaphore, #tpu.memory_space<semaphore_mem>>
      %dma_start3A_179 = arith.constant 0 : i32
      %dma_start3A_180 = arith.constant 128 : i32
      %dma_start3A_181 = tpu.memref_slice %arg8[%dma_start3A_179, %dma_start3A_180] : memref<64x144xf32, #tpu.memory_space<vmem>> -> memref<52x16xf32, #tpu.memory_space<vmem>>
      %dma_start3A_182 = arith.constant 0 : i32
      %dma_start3A_183 = tpu.memref_slice %arg5[%arg0, %add3A_178, %dma_start3A_182] : memref<2x8000x16xf32, #tpu.memory_space<hbm>> -> memref<1x52x16xf32, #tpu.memory_space<hbm>>
      %dma_start3A_184 = tpu.memref_squeeze %dma_start3A_183 : memref<1x52x16xf32, #tpu.memory_space<hbm>> -> memref<52x16xf32, #tpu.memory_space<hbm>>
      %dma_start3A_185 = arith.constant 0 : i32
      %dma_start3A_186 = tpu.memref_slice %arg5[%arg0, %add3A_178, %dma_start3A_185] : memref<2x8000x16xf32, #tpu.memory_space<hbm>> -> memref<1x52x16xf32, #tpu.memory_space<hbm>>
      %dma_start3A_187 = tpu.memref_squeeze %dma_start3A_186 : memref<1x52x16xf32, #tpu.memory_space<hbm>> -> memref<52x16xf32, #tpu.memory_space<hbm>>
      %dma_start3A_188 = arith.constant 0 : i32
      %dma_start3A_189 = arith.constant 128 : i32
      %dma_start3A_190 = tpu.memref_slice %arg8[%dma_start3A_188, %dma_start3A_189] : memref<64x144xf32, #tpu.memory_space<vmem>> -> memref<52x16xf32, #tpu.memory_space<vmem>>
      tpu.enqueue_dma source(%dma_start3A_190 : memref<52x16xf32, #tpu.memory_space<vmem>>) target(%dma_start3A_187 : memref<52x16xf32, #tpu.memory_space<hbm>>) target_semaphore(%run_scoped3A : memref<!tpu.dma_semaphore, #tpu.memory_space<semaphore_mem>>)
      %dma_wait3A_191 = arith.constant 0 : i32
      %dma_wait3A_192 = arith.constant 128 : i32
      %dma_wait3A_193 = tpu.memref_slice %arg8[%dma_wait3A_191, %dma_wait3A_192] : memref<64x144xf32, #tpu.memory_space<vmem>> -> memref<52x16xf32, #tpu.memory_space<vmem>>
      %dma_wait3A_194 = arith.constant 0 : i32
      %dma_wait3A_195 = tpu.memref_slice %arg5[%arg0, %add3A_178, %dma_wait3A_194] : memref<2x8000x16xf32, #tpu.memory_space<hbm>> -> memref<1x52x16xf32, #tpu.memory_space<hbm>>
      %dma_wait3A_196 = tpu.memref_squeeze %dma_wait3A_195 : memref<1x52x16xf32, #tpu.memory_space<hbm>> -> memref<52x16xf32, #tpu.memory_space<hbm>>
      %dma_wait3A_197 = arith.constant 0 : i32
      %dma_wait3A_198 = tpu.memref_slice %arg5[%arg0, %add3A_178, %dma_wait3A_197] : memref<2x8000x16xf32, #tpu.memory_space<hbm>> -> memref<1x52x16xf32, #tpu.memory_space<hbm>>
      %dma_wait3A_199 = tpu.memref_squeeze %dma_wait3A_198 : memref<1x52x16xf32, #tpu.memory_space<hbm>> -> memref<52x16xf32, #tpu.memory_space<hbm>>
      %dma_wait3A_200 = arith.constant 0 : i32
      %dma_wait3A_201 = arith.constant 128 : i32
      %dma_wait3A_202 = tpu.memref_slice %arg8[%dma_wait3A_200, %dma_wait3A_201] : memref<64x144xf32, #tpu.memory_space<vmem>> -> memref<52x16xf32, #tpu.memory_space<vmem>>
      tpu.wait_dma2 semaphore(%run_scoped3A : memref<!tpu.dma_semaphore, #tpu.memory_space<semaphore_mem>>) src(%dma_wait3A_202 : memref<52x16xf32, #tpu.memory_space<vmem>>) dst(%dma_wait3A_199 : memref<52x16xf32, #tpu.memory_space<hbm>>)
      tpu.yield
    }) : () -> ()
    return
  }
}

module attributes {stable_mosaic.version = 14 : i64} {
  func.func @_head_body(%arg0: i32, %arg1: memref<2x4000x128xf32, #tpu.memory_space<vmem>>, %arg2: memref<2x4000x16xf32, #tpu.memory_space<vmem>>, %arg3: memref<4000x128xf32, #tpu.memory_space<vmem>>, %arg4: memref<128x128xf32, #tpu.memory_space<vmem>>, %arg5: memref<128x128xf32, #tpu.memory_space<vmem>>, %arg6: memref<8x128xf32, #tpu.memory_space<vmem>>, %arg7: memref<4000x128xf32, #tpu.memory_space<vmem>>) attributes {dimension_semantics = [#tpu.dimension_semantics<arbitrary>], iteration_bounds = array<i64: 5>, scalar_prefetch = 0 : i64, scratch_operands = 0 : i64, tpu.core_type = #tpu.core_type<tc>, window_params = [{transform_indices = @transform_0, window_bounds = array<i64: 2, 4000, 128>}, {transform_indices = @transform_1, window_bounds = array<i64: 2, 4000, 16>}, {transform_indices = @transform_2, window_bounds = array<i64: 4000, 128>}, {pipeline_mode = #tpu.pipeline_mode<synchronous>, transform_indices = @transform_3, window_bounds = array<i64: 128, 128>}, {pipeline_mode = #tpu.pipeline_mode<synchronous>, transform_indices = @transform_4, window_bounds = array<i64: 128, 128>}, {transform_indices = @transform_5, window_bounds = array<i64: 8, 128>}, {transform_indices = @transform_6, window_bounds = array<i64: 4000, 128>}]} {
    %lt3A = arith.constant 4 : i32
    %lt3A_0 = arith.cmpi slt, %arg0, %lt3A : i32
    %convert_element_type3A = arith.extui %lt3A_0 : i1 to i32
    %cond3A = arith.constant 0 : i32
    %cond3A_1 = arith.cmpi ne, %convert_element_type3A, %cond3A : i32
    scf.if %cond3A_1 {
      %get3A = arith.constant 0 : index
      %get3A_6 = arith.constant 0 : index
      %get3A_7 = arith.constant 0 : index
      %get3A_8 = vector.load %arg1[%get3A, %get3A_6, %get3A_7] : memref<2x4000x128xf32, #tpu.memory_space<vmem>>, vector<1x4000x128xf32>
      %get3A_9 = vector.shape_cast %get3A_8 : vector<1x4000x128xf32> to vector<4000x128xf32>
      %get3A_10 = arith.constant 0 : index
      %get3A_11 = arith.constant 0 : index
      %get3A_12 = arith.constant 0 : index
      %get3A_13 = vector.load %arg2[%get3A_10, %get3A_11, %get3A_12] : memref<2x4000x16xf32, #tpu.memory_space<vmem>>, vector<1x4000x1xf32>
      %get3A_14 = vector.shape_cast %get3A_13 : vector<1x4000x1xf32> to vector<4000x1xf32>
      %get3A_15 = arith.constant 1 : index
      %get3A_16 = arith.constant 0 : index
      %get3A_17 = arith.constant 0 : index
      %get3A_18 = vector.load %arg1[%get3A_15, %get3A_16, %get3A_17] : memref<2x4000x128xf32, #tpu.memory_space<vmem>>, vector<1x4000x128xf32>
      %get3A_19 = vector.shape_cast %get3A_18 : vector<1x4000x128xf32> to vector<4000x128xf32>
      %add3A = arith.addf %get3A_9, %get3A_19 : vector<4000x128xf32>
      %get3A_20 = arith.constant 1 : index
      %get3A_21 = arith.constant 0 : index
      %get3A_22 = arith.constant 0 : index
      %get3A_23 = vector.load %arg2[%get3A_20, %get3A_21, %get3A_22] : memref<2x4000x16xf32, #tpu.memory_space<vmem>>, vector<1x4000x1xf32>
      %get3A_24 = vector.shape_cast %get3A_23 : vector<1x4000x1xf32> to vector<4000x1xf32>
      %add3A_25 = arith.addf %get3A_14, %get3A_24 : vector<4000x1xf32>
      %max3A = arith.constant 1.000000e+00 : f32
      %max3A_26 = vector.broadcast %max3A : f32 to vector<4000x1xf32>
      %max3A_27 = arith.maximumf %add3A_25, %max3A_26 : vector<4000x1xf32>
      %div3A = vector.broadcast %max3A_27 : vector<4000x1xf32> to vector<4000x128xf32>
      %div3A_28 = arith.divf %add3A, %div3A : vector<4000x128xf32>
      %get3A_29 = arith.constant 0 : index
      %get3A_30 = arith.constant 0 : index
      %get3A_31 = vector.load %arg4[%get3A_29, %get3A_30] : memref<128x128xf32, #tpu.memory_space<vmem>>, vector<128x128xf32>
      %dot_general3A = arith.constant dense<0.000000e+00> : vector<4000x128xf32>
      %dot_general3A_32 = tpu.matmul %div3A_28, %get3A_31, %dot_general3A {dimension_numbers = #tpu.dot_dimension_numbers<[1], [0], [0], [1], [0, 0, 1, 1], [], []>, transpose_lhs_hint = false} : vector<4000x128xf32>, vector<128x128xf32>, vector<4000x128xf32> -> vector<4000x128xf32>
      %get3A_33 = arith.constant 0 : index
      %get3A_34 = arith.constant 0 : index
      %get3A_35 = vector.load %arg3[%get3A_33, %get3A_34] : memref<4000x128xf32, #tpu.memory_space<vmem>>, vector<4000x128xf32>
      %get3A_36 = arith.constant 0 : index
      %get3A_37 = arith.constant 0 : index
      %get3A_38 = vector.load %arg5[%get3A_36, %get3A_37] : memref<128x128xf32, #tpu.memory_space<vmem>>, vector<128x128xf32>
      %dot_general3A_39 = arith.constant dense<0.000000e+00> : vector<4000x128xf32>
      %dot_general3A_40 = tpu.matmul %get3A_35, %get3A_38, %dot_general3A_39 {dimension_numbers = #tpu.dot_dimension_numbers<[1], [0], [0], [1], [0, 0, 1, 1], [], []>, transpose_lhs_hint = false} : vector<4000x128xf32>, vector<128x128xf32>, vector<4000x128xf32> -> vector<4000x128xf32>
      %add3A_41 = arith.addf %dot_general3A_32, %dot_general3A_40 : vector<4000x128xf32>
      %max3A_42 = arith.constant 0.000000e+00 : f32
      %max3A_43 = vector.broadcast %max3A_42 : f32 to vector<4000x128xf32>
      %max3A_44 = arith.maximumf %add3A_41, %max3A_43 : vector<4000x128xf32>
      %get3A_45 = arith.constant 0 : index
      %get3A_46 = arith.constant 0 : index
      %get3A_47 = vector.load %arg6[%get3A_45, %get3A_46] : memref<8x128xf32, #tpu.memory_space<vmem>>, vector<1x128xf32>
      %add3A_48 = vector.broadcast %get3A_47 : vector<1x128xf32> to vector<4000x128xf32>
      %add3A_49 = arith.addf %max3A_44, %add3A_48 : vector<4000x128xf32>
      %swap3A = arith.constant 0 : index
      %swap3A_50 = arith.constant 0 : index
      %swap3A_51 = vector.load %arg7[%swap3A, %swap3A_50] : memref<4000x128xf32, #tpu.memory_space<vmem>>, vector<4000x128xf32>
      tpu.vector_store %arg7[%swap3A, %swap3A_50], %add3A_49 {strides = array<i32>} : memref<4000x128xf32, #tpu.memory_space<vmem>>, vector<4000x128xf32>,
    } else {
    }
    %eq3A = arith.constant 4 : i32
    %eq3A_2 = arith.cmpi eq, %arg0, %eq3A : i32
    %convert_element_type3A_3 = arith.extui %eq3A_2 : i1 to i32
    %cond3A_4 = arith.constant 0 : i32
    %cond3A_5 = arith.cmpi ne, %convert_element_type3A_3, %cond3A_4 : i32
    scf.if %cond3A_5 {
      %broadcast_in_dim3A = arith.constant 0.000000e+00 : f32
      %broadcast_in_dim3A_6 = vector.broadcast %broadcast_in_dim3A : f32 to vector<4000x128xf32>
      %swap3A = arith.constant 0 : index
      %swap3A_7 = arith.constant 0 : index
      %swap3A_8 = vector.load %arg7[%swap3A, %swap3A_7] : memref<4000x128xf32, #tpu.memory_space<vmem>>, vector<4000x128xf32>
      tpu.vector_store %arg7[%swap3A, %swap3A_7], %broadcast_in_dim3A_6 {strides = array<i32>} : memref<4000x128xf32, #tpu.memory_space<vmem>>, vector<4000x128xf32>,
    } else {
    }
    return
  }
  func.func @transform_0(%arg0: i32) -> (i32, i32, i32) {
    %jit3A = arith.constant 2 : i32
    %eq3A = arith.constant 0 : i32
    %eq3A_0 = arith.cmpi eq, %jit3A, %eq3A : i32
    %jit3A_1 = arith.constant 1 : i32
    %select_n3A = arith.select %eq3A_0, %jit3A_1, %jit3A : i32
    %rem3A = arith.remsi %arg0, %select_n3A : i32
    %ne3A = arith.constant 0 : i32
    %ne3A_2 = arith.cmpi ne, %rem3A, %ne3A : i32
    %lt3A = arith.constant 0 : i32
    %lt3A_3 = arith.cmpi slt, %rem3A, %lt3A : i32
    %lt3A_4 = arith.constant 0 : i32
    %lt3A_5 = arith.cmpi slt, %select_n3A, %lt3A_4 : i32
    %ne3A_6 = arith.xori %lt3A_3, %lt3A_5 : i1
    %and3A = arith.andi %ne3A_6, %ne3A_2 : i1
    %add3A = arith.addi %rem3A, %select_n3A : i32
    %select_n3A_7 = arith.select %and3A, %add3A, %rem3A : i32
    %c0_i32 = arith.constant 0 : i32
    %c0_i32_8 = arith.constant 0 : i32
    %c0_i32_9 = arith.constant 0 : i32
    return %c0_i32, %select_n3A_7, %c0_i32_8 : i32, i32, i32
  }
  func.func @transform_1(%arg0: i32) -> (i32, i32, i32) {
    %jit3A = arith.constant 2 : i32
    %eq3A = arith.constant 0 : i32
    %eq3A_0 = arith.cmpi eq, %jit3A, %eq3A : i32
    %jit3A_1 = arith.constant 1 : i32
    %select_n3A = arith.select %eq3A_0, %jit3A_1, %jit3A : i32
    %rem3A = arith.remsi %arg0, %select_n3A : i32
    %ne3A = arith.constant 0 : i32
    %ne3A_2 = arith.cmpi ne, %rem3A, %ne3A : i32
    %lt3A = arith.constant 0 : i32
    %lt3A_3 = arith.cmpi slt, %rem3A, %lt3A : i32
    %lt3A_4 = arith.constant 0 : i32
    %lt3A_5 = arith.cmpi slt, %select_n3A, %lt3A_4 : i32
    %ne3A_6 = arith.xori %lt3A_3, %lt3A_5 : i1
    %and3A = arith.andi %ne3A_6, %ne3A_2 : i1
    %add3A = arith.addi %rem3A, %select_n3A : i32
    %select_n3A_7 = arith.select %and3A, %add3A, %rem3A : i32
    %c0_i32 = arith.constant 0 : i32
    %c0_i32_8 = arith.constant 0 : i32
    %c0_i32_9 = arith.constant 0 : i32
    return %c0_i32, %select_n3A_7, %c0_i32_8 : i32, i32, i32
  }
  func.func @transform_2(%arg0: i32) -> (i32, i32) {
    %jit3A = arith.constant 2 : i32
    %eq3A = arith.constant 0 : i32
    %eq3A_0 = arith.cmpi eq, %jit3A, %eq3A : i32
    %jit3A_1 = arith.constant 1 : i32
    %select_n3A = arith.select %eq3A_0, %jit3A_1, %jit3A : i32
    %rem3A = arith.remsi %arg0, %select_n3A : i32
    %ne3A = arith.constant 0 : i32
    %ne3A_2 = arith.cmpi ne, %rem3A, %ne3A : i32
    %lt3A = arith.constant 0 : i32
    %lt3A_3 = arith.cmpi slt, %rem3A, %lt3A : i32
    %lt3A_4 = arith.constant 0 : i32
    %lt3A_5 = arith.cmpi slt, %select_n3A, %lt3A_4 : i32
    %ne3A_6 = arith.xori %lt3A_3, %lt3A_5 : i1
    %and3A = arith.andi %ne3A_6, %ne3A_2 : i1
    %add3A = arith.addi %rem3A, %select_n3A : i32
    %select_n3A_7 = arith.select %and3A, %add3A, %rem3A : i32
    %c0_i32 = arith.constant 0 : i32
    %c0_i32_8 = arith.constant 0 : i32
    return %select_n3A_7, %c0_i32 : i32, i32
  }
  func.func @transform_3(%arg0: i32) -> (i32, i32) {
    %c0_i32 = arith.constant 0 : i32
    %c0_i32_0 = arith.constant 0 : i32
    %c0_i32_1 = arith.constant 0 : i32
    return %c0_i32, %c0_i32_0 : i32, i32
  }
  func.func @transform_4(%arg0: i32) -> (i32, i32) {
    %c0_i32 = arith.constant 0 : i32
    %c0_i32_0 = arith.constant 0 : i32
    %c0_i32_1 = arith.constant 0 : i32
    return %c0_i32, %c0_i32_0 : i32, i32
  }
  func.func @transform_5(%arg0: i32) -> (i32, i32) {
    %jit3A = arith.constant 2 : i32
    %div3A = arith.divsi %arg0, %jit3A : i32
    %sign3A = arith.constant 0 : i32
    %sign3A_0 = arith.cmpi sgt, %arg0, %sign3A : i32
    %sign3A_1 = arith.extui %sign3A_0 : i1 to i32
    %sign3A_2 = arith.constant 0 : i32
    %sign3A_3 = arith.cmpi slt, %arg0, %sign3A_2 : i32
    %sign3A_4 = arith.extui %sign3A_3 : i1 to i32
    %sign3A_5 = arith.subi %sign3A_1, %sign3A_4 : i32
    %sign3A_6 = arith.constant 0 : i32
    %sign3A_7 = arith.cmpi sgt, %jit3A, %sign3A_6 : i32
    %sign3A_8 = arith.extui %sign3A_7 : i1 to i32
    %sign3A_9 = arith.constant 0 : i32
    %sign3A_10 = arith.cmpi slt, %jit3A, %sign3A_9 : i32
    %sign3A_11 = arith.extui %sign3A_10 : i1 to i32
    %sign3A_12 = arith.subi %sign3A_8, %sign3A_11 : i32
    %ne3A = arith.cmpi ne, %sign3A_5, %sign3A_12 : i32
    %rem3A = arith.remsi %arg0, %jit3A : i32
    %ne3A_13 = arith.constant 0 : i32
    %ne3A_14 = arith.cmpi ne, %rem3A, %ne3A_13 : i32
    %and3A = arith.andi %ne3A, %ne3A_14 : i1
    %sub3A = arith.constant 1 : i32
    %sub3A_15 = arith.subi %div3A, %sub3A : i32
    %select_n3A = arith.select %and3A, %sub3A_15, %div3A : i32
    %c0_i32 = arith.constant 0 : i32
    %c0_i32_16 = arith.constant 0 : i32
    return %select_n3A, %c0_i32 : i32, i32
  }
  func.func @transform_6(%arg0: i32) -> (i32, i32) {
    %c0_i32 = arith.constant 0 : i32
    %c0_i32_0 = arith.constant 0 : i32
    return %arg0, %c0_i32 : i32, i32
  }
}

</mosaic_0001>

<sc_bundles>
// kernel: kernel.4.cloned.1.call-start
scs
__scs_entry_jumppad:
0x0: {  	(pc) =	sbr.rel $0x88, $3  }
0x1: {  	(tag) =	ssettag $0x0;
	lr =	simm.s32 $0x1  }
0x2: {  	[smem:$0x3F9B] =	sst lr;
	_ =	strace $0xD0000000  }
0x3: {  	_ = 	snop  }
0x4: {  	_ = 	snop  }
0x5: {  	_ = 	snop  }
0x6: {  	_ = 	snop  }
0x7: {  	_ = 	snop  }
__scs_overlays_trampoline_lowered:
0x8: {  	[smem:$0x3FAA] =	sst s0  }
0x9: {  	[smem:$0x3FAB] =	sst s1  }
0xa: {  	[smem:$0x3FAC] =	sst s2  }
0xb: {  	[smem:$0x3FAD] =	sst s3  }
0xc: {  	[smem:$0x3FAE] =	sst s4  }
0xd: {  	[smem:$0x3FAF] =	sst s5  }
0xe: {  	[smem:$0x3FB0] =	sst s6  }
0xf: {  	[smem:$0x3FB1] =	sst s7  }
0x10: {  	[smem:$0x3FB2] =	sst s8  }
0x11: {  	[smem:$0x3FB3] =	sst s9;
	s0 =	simm.s32 @!p0 $0x0  }
0x12: {  	s1 =	sld [smem:$0x3F99];
	s0 =	simm.s32 @p0 $0x1  }
0x13: {  	[smem:$0x3FB4] =	sst s0;
	s0 =	simm.s32 @!p1 $0x0  }
0x14: {  	s2 =	sld [smem:$0x3F98];
	s0 =	simm.s32 @p1 $0x1  }
0x15: {  	[smem:$0x3FB5] =	sst s0;
	s0 =	simm.s32 @!p2 $0x0  }
0x16: {  	s3 =	sld [smem:$0x3FDB];
	s0 =	simm.s32 @p2 $0x1  }
0x17: {  	s4 =	simm.s32 $0x1BF5;
	[smem:$0x3FB7] =	sst s0  }
0x18: {  	s0 =	sld [smem:$0x3F9A];
	_ =	swait.ge [sflag:s4], $0x0  }
0x19: {  	s7 =	sld [smem:$0x3F9B]  }
0x1a: {  	s8 =	sadd.s32 $0xFFFFE003, lr  }
0x1b: {  	s9 =	sadd.s32 $0xFFFFFEF7, lr;
	s5 =	simm.s32 $0xFFFFFFFF;
	p2 =	slt.u32 s8, $0xFFFFF086  }
0x1c: {  	p1 =	slt.u32 s9, $0xF7A;
	s5 =	simm.s32 @!p2 $0x0  }
0x1d: {  	s5 =	simm.s32 @p1 $0x1;
	p0 =	seq.s32 s7, s2  }
0x1e: {  	s7 =	smul.u32 @!p0 $0xF7A, s2;
	p2 =	seq.s32 @!p0 s5, $0x0  }
0x1f: {  	s9 =	smul.u32 $0xF7A, s1;
	s8 =	simm.s32 @!p0 $0x1BF5;
	p2 =	por !p2, p0  }
0x20: {  	[sflag:s8] =	ssyncset.s32 @!p0 $0xFFFFF086;
	s6 =	sadd.s32 @!p0 s3, s7;
	s7 =	simm.s32 @!p0 $0x108  }
0x21: {  	s3 =	sadd.s32 s3, s9;
	s6 =	sadd.s32 @!p0 $0x88, s6;
	s7 =	simm.s32 @p2 $0x1082  }
0x22: {  	[simem:s7], [sflag:s8] =	dma.local @!p0 [hbm:s6], $0xF7A  }
0x23: {  	s9 =	sor.u32 $0xD0000000, s2;
	s6 =	simm.s32 $0x108;
	_ =	swait.ge @!p0 [sflag:s8], $0x0  }
0x24: {  	s3 =	sadd.s32 $0x88, s3;
	s6 =	simm.s32 @!p1 $0x1082;
	[sflag:s4] =	ssyncset.s32 $0xFFFFF086  }
0x25: {  	[simem:s6], [sflag:s4] =	dma.local [hbm:s3], $0xF7A  }
0x26: {  	[smem:$0x3F9B] =	sst s1;
	(tag) =	ssettag s2;
	_ =	strace s9  }
0x27: {  	s1 =	sld [smem:$0x3FAB]  }
0x28: {  	s2 =	sld [smem:$0x3FAC]  }
0x29: {  	s4 =	sld [smem:$0x3FAE]  }
0x2a: {  	p0 =	seq.s32 s5, $0x0;
	s5 =	sld [smem:$0x3FAF]  }
0x2b: {  	s6 =	sld [smem:$0x3FB0]  }
0x2c: {  	s7 =	sld [smem:$0x3FB1]  }
0x2d: {  	s3 =	simm.s32 $0x108;
	s8 =	sld [smem:$0x3FB2]  }
0x2e: {  	s3 =	simm.s32 @!p0 $0x1082;
	s9 =	sld [smem:$0x3FB3]  }
0x2f: {  	lr =	sadd.s32 s0, s3;
	s0 =	sld [smem:$0x3FAA]  }
0x30: {  	s3 =	sld [smem:$0x3FAD]  }
0x31: {  	[smem:$0x3FB6] =	sst s10  }
0x32: {  	s10 =	sld [smem:$0x3FB4];
	_ =	sdelay $0x3  }
0x33: {  	p0 =	seq.s32 s10, $0x1;
	s10 =	sld [smem:$0x3FB6];
	_ =	sdelay $0x3  }
0x34: {  	[smem:$0x3FB6] =	sst s10  }
0x35: {  	s10 =	sld [smem:$0x3FB5];
	_ =	sdelay $0x3  }
0x36: {  	p1 =	seq.s32 s10, $0x1;
	s10 =	sld [smem:$0x3FB6];
	_ =	sdelay $0x3  }
0x37: {  	[smem:$0x3FB6] =	sst s10  }
0x38: {  	s10 =	sld [smem:$0x3FB7]  }
0x39: {  	_ = 	snop;
	(pc) =	sbr.ind lr, $3  }
0x3a: {  	_ = 	snop  }
0x3b: {  	_ = 	snop  }
0x3c: {  	p2 =	seq.s32 s10, $0x1;
	s10 =	sld [smem:$0x3FB6]  }
0x3d: {  	_ =	shalt  }
0x3e: {  	_ =	shalt  }
0x3f: {  	_ =	shalt  }
0x40: {  	_ =	shalt  }
0x41: {  	_ =	shalt  }
0x42: {  	_ =	shalt  }
0x43: {  	_ =	shalt  }
0x44: {  	_ =	shalt  }
0x45: {  	_ =	shalt  }
0x46: {  	_ =	shalt  }
0x47: {  	_ =	shalt  }
0x48: {  	_ =	shalt  }
0x49: {  	_ =	shalt  }
0x4a: {  	_ =	shalt  }
0x4b: {  	_ =	shalt  }
0x4c: {  	_ =	shalt  }
0x4d: {  	_ =	shalt  }
0x4e: {  	_ =	shalt  }
0x4f: {  	_ =	shalt  }
0x50: {  	_ =	shalt  }
0x51: {  	_ =	shalt  }
0x52: {  	_ =	shalt  }
0x53: {  	_ =	shalt  }
0x54: {  	_ =	shalt  }
0x55: {  	_ =	shalt  }
0x56: {  	_ =	shalt  }
0x57: {  	_ =	shalt  }
0x58: {  	_ =	shalt  }
0x59: {  	_ =	shalt  }
0x5a: {  	_ =	shalt  }
0x5b: {  	_ =	shalt  }
0x5c: {  	_ =	shalt  }
0x5d: {  	_ =	shalt  }
0x5e: {  	_ =	shalt  }
0x5f: {  	_ =	shalt  }
0x60: {  	_ =	shalt  }
0x61: {  	_ =	shalt  }
0x62: {  	_ =	shalt  }
0x63: {  	_ =	shalt  }
0x64: {  	_ =	shalt  }
0x65: {  	_ =	shalt  }
0x66: {  	_ =	shalt  }
0x67: {  	_ =	shalt  }
0x68: {  	_ =	shalt  }
0x69: {  	_ =	shalt  }
0x6a: {  	_ =	shalt  }
0x6b: {  	_ =	shalt  }
0x6c: {  	_ =	shalt  }
0x6d: {  	_ =	shalt  }
0x6e: {  	_ =	shalt  }
0x6f: {  	_ =	shalt  }
0x70: {  	_ =	shalt  }
0x71: {  	_ =	shalt  }
0x72: {  	_ =	shalt  }
0x73: {  	_ =	shalt  }
0x74: {  	_ =	shalt  }
0x75: {  	_ =	shalt  }
0x76: {  	_ =	shalt  }
0x77: {  	_ =	shalt  }
0x78: {  	_ =	shalt  }
0x79: {  	_ =	shalt  }
0x7a: {  	_ =	shalt  }
0x7b: {  	_ =	shalt  }
0x7c: {  	_ =	shalt  }
0x7d: {  	_ =	shalt  }
0x7e: {  	_ =	shalt  }
0x7f: {  	_ =	shalt  }
0x80: {  	_ =	shalt  }
0x81: {  	_ =	shalt  }
0x82: {  	_ =	shalt  }
0x83: {  	_ =	shalt  }
0x84: {  	_ =	shalt  }
0x85: {  	_ =	shalt  }
0x86: {  	_ =	shalt  }
0x87: {  	_ =	shalt  }
.Lfunc_end0:
.L_simem_size_0:
called_computation_lowered:
.L_overlay_start_0:
0x88: {  	s2 =	sld [smem:$0x3FD9]  }
0x89: {  	s3 =	sld [smem:$0x3FFE];
	_ =	sdelay $0x1  }
0x8a: {  	s1 =	srdreg.scid  }
0x8b: {  	s0 =	sand.u32 $0x1, s1  }
0x8c: {  	s17 =	sshll.u32 s0, $0xA;
	s2 =	sadd.s32 s3, s2  }
0x8d: {  	s2 =	sadd.s32 s2, s17  }
0x8e: {  	[smem:$0x3FC2] =	sst s2  }
0x8f: {  	_ = 	snop  }
0x90: {  	s2 =	sld [smem:$0x3FD0];
	(tm) =	ssettm $0x1  }
0x91: {  	s18 =	sld [smem:$0x3FFB];
	_ =	sdelay $0x3  }
0x92: {  	_ =	strace s18  }
0x93: {  	s3 =	sld [smem:$0x3FFC];
	_ =	sdelay $0x3  }
0x94: {  	_ =	strace s3  }
0x95: {  	s3 =	sld [smem:$0x3FFD];
	_ =	sdelay $0x3  }
0x96: {  	_ =	strace s3  }
0x97: {  	_ =	strace $0x8FFFFFFF  }
0x98: {  	s19 =	sld [smem:$0x3FDB];
	_ =	sdelay $0x1  }
0x99: {  	s4 =	simm.s32 $_scs_section_size  }
0x9a: {  	s5 =	simm.s32 $_size__tile_overlayer_lowered;
	s6 =	simm.s32 $_tile_overlayer_lowered  }
0x9b: {  	s22 =	simm.s32 $0x1BFF;
	s21 =	sshll.u32 s6, $0x1;
	s3 =	sadd.s32 s4, s19  }
0x9c: {  	s7 =	simm.s32 $0x0;
	s20 =	sshll.u32 s5, $0x1;
	s5 =	sadd.s32 s21, s3  }
0x9d: {  	[timem:s7], [sflag:s22] =	dma.local [hbm:s5], s20  }
0x9e: {  	_ =	swait.ge [sflag:s22], s20  }
0x9f: {  	s4 =	ssub.s32 $0x0, s20;
	[sflag:s22] =	ssyncset.done $0x0  }
0xa0: {  	[sflag:s22] =	ssyncadd.s32 s4;
	_ =	sdelay $0x1  }
0xa1: {  	s23 =	simm.s32 $0x1B8B  }
0xa2: {  	_ =	swait.ge [sflag:s23], $0x1  }
0xa3: {  	[sflag:s23] =	ssyncset.done $0x0  }
0xa4: {  	s25 =	simm.s32 $0x1B8E;
	s24 =	sld [smem:$0x3FFE];
	[sflag:s23] =	ssyncadd.s32 $0xFFFFFFFF  }
0xa5: {  	s26 =	simm.s32 $execute0_lowered;
	[smem:$0x3FD2] =	sst s25  }
0xa6: {  	s5 =	sshll.u32 s26, $0x1;
	_ =	strace $0x80000046;
	[dreg:$0x1] =	wrdreg $0xFFFFFFFF  }
0xa7: {  	s28 =	simm.s32 $_size_execute0_lowered;
	s3 =	sadd.s32 s3, s5;
	[dreg:$0x0] =	wrdreg $0x0  }
0xa8: {  	s5 =	sshll.u32 s28, $0x1;
	[dreg:$0x2] =	wrdreg s3  }
0xa9: {  	[dreg:$0x3] =	wrdreg s5  }
0xaa: {  	[dreg:$0x4] =	wrdreg $0xC0  }
0xab: {  	_ =	task [dreg:s7], $0x5FFFF  }
0xac: {  	[dreg:$0x1] =	wrdreg $0xFFFFFFFF  }
0xad: {  	[dreg:$0x0] =	wrdreg $0x60  }
0xae: {  	[dreg:$0x2] =	wrdreg s24  }
0xaf: {  	[dreg:$0x3] =	wrdreg s2  }
0xb0: {  	[dreg:$0x4] =	wrdreg $0x96200  }
0xb1: {  	[dreg:$0x5] =	wrdreg $0x9  }
0xb2: {  	_ =	task.clear_ibuf [dreg:s7], $0x6FFFF;
	_ =	strace $0x90000046  }
0xb3: {  	s29 =	simm.s32 $0x9;
	_ =	strace $0x80000048  }
0xb4: {  	_ =	swait.ge [sflag:s29], $0x1  }
0xb5: {  	[sflag:s29] =	ssyncadd.s32 $0xFFFFFFFF  }
0xb6: {  	_ =	strace $0x90000048  }
0xb7: {  	_ =	sfence  }
0xb8: {  	s30 =	sld [smem:$0x0];
	_ =	sdelay $0x2  }
0xb9: {  	s31 =	sshll.u32 s1, $0xD;
	s1 =	sshrl.u32 s1, $0x2  }
0xba: {  	s3 =	sand.u32 $0x4000, s31;
	s1 =	sadd.s32 s1, s30  }
0xbb: {  	s0 =	sor.u32 s3, s0;
	s1 =	sshll.u32 s1, $0x11  }
0xbc: {  	s0 =	sor.u32 s1, s0  }
0xbd: {  	s0 =	sadd.s32 $0x8F2B, s0  }
0xbe: {  	[sflag:s0] =	ssyncadd.remote.s32 $0x1  }
0xbf: {  	_ =	sfence.sel $0xFFFF  }
0xc0: {  	[dreg:$0x0] =	wrdreg $0xFFFFFFFF;
	(pc) =	sbr.abs _section_cstart, $3  }
0xc1: {  	[dreg:$0x1] =	wrdreg $0xFFFFFFFF  }
0xc2: {  	_ =	task.clear_ibuf [dreg:s7], $0x2FFFF;
	_ =	strace $0x9FFFFFFF  }
0xc3: {  	(tm) =	ssettm $0x7FFFFFFF  }
tec
execute0_lowered:
.L_overlay_start_1:
0x0: {  	(tag) =	ssettag $0x1  }
0x1: {  	s13 =	rddreg [dreg:$0x0];
	s31 =	stileid.u32  }
0x2: {  	s0 =	srdreg.scid;
	s2 =	smul.u32 $0x1F4, s31  }
0x3: {  	s11 =	rddreg [dreg:$0x1];
	s25 =	smul.u32 $0x8CA, s31  }
0x4: {  	s1 =	rddreg [dreg:$0x2];
	s8 =	smul.u32 $0x4650, s31  }
0x5: {  	s4 =	sand.u32 $0x1, s0;
	s5 =	sadd.s32 $0x2000, s13;
	s29 =	smul.u32 $0xFA00, s31  }
0x6: {  	s30 =	sadd.s32 $0x1E800, s13;
	s0 =	ssub.s32 $0x2, s4;
	s9 =	smul.u32 $0xFA000, s4  }
0x7: {  	s3 =	sshll.u32 s4, $0x4;
	s19 =	smul.u32 $0x1F400, s4;
	s6 =	sshrl.u32 s0, $0x1  }
0x8: {  	s7 =	sor.u32 s31, s3;
	s3 =	sadd.s32 $0x40, s2;
	s12 =	sadd.s32 $0x80, s2  }
0x9: {  	s14 =	sadd.s32 $0xC0, s2;
	s15 =	sadd.s32 $0x100, s2;
	s16 =	sadd.s32 $0x140, s2  }
0xa: {  	s17 =	sadd.s32 $0x180, s2;
	s18 =	sadd.s32 $0x1C0, s2;
	s26 =	sadd.s32 s5, s25  }
0xb: {  	s28 =	sshrl.u32 s8, $0x3;
	s0 =	ssub.s32 s0, s6;
	[dreg:$0x4] =	wrdreg s26  }
0xc: {  	s2 =	sadd.s32 s5, s28;
	s5 =	sshll.u32 s3, $0x7;
	s6 =	sadd.s32 s29, s9  }
0xd: {  	s26 =	smul.u32 $0x1F40, s31;
	s28 =	sshll.u32 s12, $0x7;
	s10 =	sshll.u32 s14, $0x7  }
0xe: {  	s20 =	sshll.u32 s15, $0x7;
	s29 =	sshll.u32 s16, $0x7;
	s22 =	sshll.u32 s17, $0x7  }
0xf: {  	s23 =	sshll.u32 s18, $0x7;
	s25 =	smul.u32 $0x2710, s7;
	s12 =	sshll.u32 s12, $0x4  }
0x10: {  	s14 =	sshll.u32 s14, $0x4;
	s15 =	sshll.u32 s15, $0x4;
	s16 =	sshll.u32 s16, $0x4  }
0x11: {  	s17 =	sshll.u32 s17, $0x4;
	s18 =	sshll.u32 s18, $0x4;
	s8 =	sadd.s32 s9, s5  }
0x12: {  	s21 =	sadd.s32 s9, s28;
	s10 =	sadd.s32 s9, s10;
	s20 =	sadd.s32 s9, s20  }
0x13: {  	s24 =	sadd.s32 s9, s29;
	s22 =	sadd.s32 s9, s22;
	s23 =	sadd.s32 s9, s23  }
0x14: {  	s7 =	sshrl.u32 s6, $0x3;
	s29 =	sshll.u32 s3, $0x4;
	s3 =	smul.u32 $0x240, s3  }
0x15: {  	s2 =	sadd.s32 $0x480, s2;
	s0 =	smax.u32 s0, $0x1;
	s4 =	sadd.s32 s11, s7  }
0x16: {  	s26 =	sadd.s32 s26, s19;
	s8 =	sshrl.u32 s8, $0x3;
	s9 =	sshrl.u32 s21, $0x3  }
0x17: {  	s10 =	sshrl.u32 s10, $0x3;
	s20 =	sshrl.u32 s20, $0x3;
	s21 =	sshrl.u32 s24, $0x3  }
0x18: {  	s24 =	sshrl.u32 s22, $0x3;
	s28 =	sshrl.u32 s23, $0x3;
	s22 =	sadd.s32 s19, s14  }
0x19: {  	s23 =	sadd.s32 s19, s15;
	s25 =	sshrl.u32 s25, $0x3;
	s5 =	sadd.s32 s11, s8  }
0x1a: {  	s6 =	sadd.s32 s11, s9;
	s7 =	sadd.s32 s11, s10;
	s8 =	sadd.s32 s11, s20  }
0x1b: {  	s9 =	sadd.s32 s11, s21;
	s10 =	sadd.s32 s11, s24;
	s11 =	sadd.s32 s11, s28  }
0x1c: {  	s20 =	sadd.s32 s19, s29;
	s21 =	sadd.s32 s19, s12;
	s24 =	sadd.s32 s19, s16  }
0x1d: {  	s28 =	sadd.s32 s19, s17;
	s12 =	simm.s32 $0x0;
	s29 =	sadd.s32 s19, s18  }
0x1e: {  	s25 =	sadd.s32 s25, s13;
	s15 =	sshrl.u32 s26, $0x3;
	s18 =	sshrl.u32 s22, $0x3  }
0x1f: {  	s19 =	sshrl.u32 s23, $0x3;
	s3 =	sshrl.u32 s3, $0x2;
	[smem:$0x7FF] =	sst s12  }
0x20: {  	s13 =	sadd.s32 s30, s15;
	s16 =	sshrl.u32 s20, $0x3;
	s17 =	sshrl.u32 s21, $0x3  }
0x21: {  	s20 =	sshrl.u32 s24, $0x3;
	s21 =	sshrl.u32 s28, $0x3;
	s22 =	sshrl.u32 s29, $0x3  }
0x22: {  	s23 =	sadd.s32 $0xAE00, s25;
	s24 =	sadd.s32 $0x14A40, s25;
	s3 =	sadd.s32 s3, s1  }
0x23: {  	s14 =	sadd.s32 s30, s16;
	_ =	strace $0x80000047;
	[dreg:$0x5] =	wrdreg s23  }
0x24: {  	s15 =	sadd.s32 s30, s17;
	s16 =	sadd.s32 s30, s18;
	[dreg:$0x6] =	wrdreg s24  }
0x25: {  	s17 =	sadd.s32 s30, s19;
	s18 =	sadd.s32 s30, s20;
	[dreg:$0x8] =	wrdreg s3  }
0x26: {  	s19 =	sadd.s32 s30, s21;
	s21 =	smul.u32 $0x46500, s31;
	[dreg:$0xe] =	wrdreg s2  }
0x27: {  	s20 =	sadd.s32 s30, s22;
	[dreg:$0x12] =	wrdreg s0;
	s0 =	simm.s32 $0x1  }
0x28: {  	s2 =	simm.s32 $0x2;
	s25 =	sshrl.u32 s21, $0x2;
	s26 =	sadd.s32 $0x12000, s21  }
0x29: {  	s29 =	sadd.s32 $0x1B000, s21;
	s23 =	sadd.s32 $0x24000, s21;
	s30 =	sadd.s32 s25, s1  }
0x2a: {  	s28 =	sshrl.u32 s26, $0x2;
	s22 =	sshrl.u32 s29, $0x2;
	s24 =	sshrl.u32 s23, $0x2  }
0x2b: {  	s25 =	sadd.s32 $0x2D000, s21;
	s26 =	sadd.s32 $0x36000, s21;
	s23 =	sadd.s32 $0x3F000, s21  }
0x2c: {  	s3 =	sadd.s32 s28, s1;
	s28 =	smul.u32 $0x11940, s31;
	[dreg:$0x7] =	wrdreg s30  }
0x2d: {  	s31 =	simm.s32 $0x5;
	[dreg:$0x9] =	wrdreg s3;
	s3 =	sadd.s32 s22, s1  }
0x2e: {  	s22 =	sshrl.u32 s25, $0x2;
	[dreg:$0xa] =	wrdreg s3;
	s3 =	sadd.s32 s24, s1  }
0x2f: {  	s29 =	sadd.s32 s22, s1;
	s22 =	sshrl.u32 s26, $0x2;
	[dreg:$0xb] =	wrdreg s3  }
0x30: {  	s25 =	sshrl.u32 s28, $0x2;
	s24 =	simm.s32 $0x3;
	[dreg:$0xc] =	wrdreg s29  }
0x31: {  	s3 =	sadd.s32 s22, s1;
	s21 =	sadd.s32 s25, s1;
	s22 =	simm.s32 $0x4E20  }
0x32: {  	s25 =	simm.s32 $0x4;
	[dreg:$0xd] =	wrdreg s3;
	s28 =	sadd.s32 $0x119400, s21  }
0x33: {  	s3 =	sshrl.u32 s23, $0x2;
	s29 =	sadd.s32 $0x11B800, s21;
	[dreg:$0x10] =	wrdreg s28  }
0x34: {  	s21 =	simm.s32 $0x40;
	s26 =	sadd.s32 s3, s1;
	[dreg:$0x11] =	wrdreg s29  }
0x35: {  	v0 =	vimm.f32 $0.0e+00;
	s23 =	simm.s32 $0x7220;
	[dreg:$0xf] =	wrdreg s26;
	s26 =	simm.s32 $0x0  }
.LBB2_1:
0x36: {  	s3 =	rddreg [dreg:$0x5]  }
0x37: {  	[tilespmem:s12], [sflag:$0x1] =	stream.linear.gather [hbm4b:s3+s12], $0x2710, $0x38;
	[tilespmem:$0x1F5B0] =	vst v63  }
0x38: {  	s28 =	simm.s32 $0x2710;
	s3 =	rddreg [dreg:$0x6]  }
0x39: {  	[tilespmem:s28], [sflag:$0x2] =	stream.linear.gather [hbm4b:s3+s12], $0x2710, $0x38;
	[tilespmem:$0x1F5B0] =	vst v63  }
0x3a: {  	s29 =	simm.s32 $0x240;
	s28 =	simm.s32 $0x0  }
.LBB2_2:
0x3b: {  	p0 =	sne.s32 s29, $0x8DC0;
	[tilespmem:s28+$0x4EA0] =	vst v0  }
0x3c: {  	[tilespmem:s28+$0x4E20] =	vst v0  }
0x3d: {  	[tilespmem:s28+$0x4E30] =	vst v0  }
0x3e: {  	[tilespmem:s28+$0x4E40] =	vst v0  }
.Ltmp0:
0x3f: {  	[tilespmem:s28+$0x4E50] =	vst v0;
	(pc) =	sbr.rel @p0 .LBB2_2-.Ltmp0, $4  }
0x40: {  	[tilespmem:s28+$0x4E60] =	vst v0  }
0x41: {  	[tilespmem:s28+$0x4E70] =	vst v0  }
0x42: {  	[tilespmem:s28+$0x4E80] =	vst v0  }
0x43: {  	[tilespmem:s28+$0x4E90] =	vst v0;
	s28 =	sshra.s32 s29, $0x2;
	s29 =	sadd.s32 $0x240, s29  }
0x44: {  	[tilespmem:s28+$0x4EA0] =	vst v0  }
0x45: {  	[tilespmem:s28+$0x4E20] =	vst v0  }
0x46: {  	[tilespmem:s28+$0x4E30] =	vst v0  }
0x47: {  	[tilespmem:s28+$0x4E40] =	vst v0  }
0x48: {  	[tilespmem:s28+$0x4E50] =	vst v0  }
0x49: {  	[tilespmem:s28+$0x4E60] =	vst v0  }
0x4a: {  	[tilespmem:s28+$0x4E70] =	vst v0  }
0x4b: {  	[tilespmem:s28+$0x4E80] =	vst v0  }
0x4c: {  	[tilespmem:s28+$0x4E90] =	vst v0  }
0x4d: {  	[spmem:s30] =	stream.linear.scatter [tilespmem:s22], [sflag:$0x5], $0x2400, $0x38;
	[tilespmem:$0x1F5B0] =	vst v63  }
0x4e: {  	_ =	swait.ge [sflag:s31], $0x2400  }
0x4f: {  	[sflag:s31] =	ssyncset.done $0x0  }
0x50: {  	s3 =	rddreg [dreg:$0x8];
	[sflag:s31] =	ssyncadd.s32 $0xFFFFDC00  }
0x51: {  	[spmem:s3] =	stream.linear.scatter [tilespmem:s22], [sflag:$0x5], $0x2400, $0x38;
	[tilespmem:$0x1F5B0] =	vst v63  }
0x52: {  	_ =	swait.ge [sflag:s31], $0x2400  }
0x53: {  	[sflag:s31] =	ssyncset.done $0x0  }
0x54: {  	s29 =	rddreg [dreg:$0x9];
	[sflag:s31] =	ssyncadd.s32 $0xFFFFDC00  }
0x55: {  	[spmem:s29] =	stream.linear.scatter [tilespmem:s22], [sflag:$0x5], $0x2400, $0x38;
	[tilespmem:$0x1F5B0] =	vst v63  }
0x56: {  	_ =	swait.ge [sflag:s31], $0x2400  }
0x57: {  	[sflag:s31] =	ssyncset.done $0x0  }
0x58: {  	s29 =	rddreg [dreg:$0xa];
	[sflag:s31] =	ssyncadd.s32 $0xFFFFDC00  }
0x59: {  	[spmem:s29] =	stream.linear.scatter [tilespmem:s22], [sflag:$0x5], $0x2400, $0x38;
	[tilespmem:$0x1F5B0] =	vst v63  }
0x5a: {  	_ =	swait.ge [sflag:s31], $0x2400  }
0x5b: {  	[sflag:s31] =	ssyncset.done $0x0  }
0x5c: {  	s29 =	rddreg [dreg:$0xb];
	[sflag:s31] =	ssyncadd.s32 $0xFFFFDC00  }
0x5d: {  	[spmem:s29] =	stream.linear.scatter [tilespmem:s22], [sflag:$0x5], $0x2400, $0x38;
	[tilespmem:$0x1F5B0] =	vst v63  }
0x5e: {  	_ =	swait.ge [sflag:s31], $0x2400  }
0x5f: {  	[sflag:s31] =	ssyncset.done $0x0  }
0x60: {  	s29 =	rddreg [dreg:$0xc];
	[sflag:s31] =	ssyncadd.s32 $0xFFFFDC00  }
0x61: {  	[spmem:s29] =	stream.linear.scatter [tilespmem:s22], [sflag:$0x5], $0x2400, $0x38;
	[tilespmem:$0x1F5B0] =	vst v63  }
0x62: {  	_ =	swait.ge [sflag:s31], $0x2400  }
0x63: {  	[sflag:s31] =	ssyncset.done $0x0  }
0x64: {  	s29 =	rddreg [dreg:$0xd];
	[sflag:s31] =	ssyncadd.s32 $0xFFFFDC00  }
0x65: {  	[spmem:s29] =	stream.linear.scatter [tilespmem:s22], [sflag:$0x5], $0x2400, $0x38;
	[tilespmem:$0x1F5B0] =	vst v63  }
0x66: {  	_ =	swait.ge [sflag:s31], $0x2400  }
0x67: {  	[sflag:s31] =	ssyncset.done $0x0  }
0x68: {  	s29 =	rddreg [dreg:$0xf];
	[sflag:s31] =	ssyncadd.s32 $0xFFFFDC00  }
0x69: {  	[spmem:s29] =	stream.linear.scatter [tilespmem:s22], [sflag:$0x5], $0x1D40, $0x38;
	[tilespmem:$0x1F5B0] =	vst v63  }
0x6a: {  	_ =	swait.ge [sflag:s31], $0x1D40  }
0x6b: {  	[sflag:s31] =	ssyncset.done $0x0  }
0x6c: {  	s29 =	rddreg [dreg:$0x4];
	[sflag:s31] =	ssyncadd.s32 $0xFFFFE2C0  }
0x6d: {  	[tilespmem:s22], [sflag:$0x5] =	stream.linear.gather [hbm4b:s29+s12], $0x2400, $0x38;
	[tilespmem:$0x1F5B0] =	vst v63  }
0x6e: {  	_ =	swait.ge [sflag:s31], $0x2400  }
0x6f: {  	[sflag:s31] =	ssyncset.done $0x0  }
0x70: {  	s29 =	rddreg [dreg:$0x10];
	[sflag:s31] =	ssyncadd.s32 $0xFFFFDC00  }
0x71: {  	[spmem:s29] =	stream.linear.scatter [tilespmem:s22], [sflag:$0x5], $0x2400, $0x38;
	[tilespmem:$0x1F5B0] =	vst v63  }
0x72: {  	_ =	swait.ge [sflag:s31], $0x2400  }
0x73: {  	[sflag:s31] =	ssyncset.done $0x0  }
0x74: {  	s29 =	rddreg [dreg:$0xe];
	[sflag:s31] =	ssyncadd.s32 $0xFFFFDC00  }
0x75: {  	[tilespmem:s22], [sflag:$0x5] =	stream.linear.gather [hbm4b:s29+s12], $0x2250, $0x38;
	[tilespmem:$0x1F5B0] =	vst v63  }
0x76: {  	_ =	swait.ge [sflag:s31], $0x2250  }
0x77: {  	[sflag:s31] =	ssyncset.done $0x0  }
0x78: {  	s29 =	rddreg [dreg:$0x11];
	[sflag:s31] =	ssyncadd.s32 $0xFFFFDDB0  }
0x79: {  	[spmem:s29] =	stream.linear.scatter [tilespmem:s22], [sflag:$0x5], $0x2250, $0x38;
	[tilespmem:$0x1F5B0] =	vst v63  }
0x7a: {  	_ =	swait.ge [sflag:s31], $0x2250  }
0x7b: {  	[sflag:s31] =	ssyncset.done $0x0  }
0x7c: {  	[sflag:s31] =	ssyncadd.s32 $0xFFFFDDB0  }
0x7d: {  	_ =	swait.ge [sflag:s0], $0x2710  }
0x7e: {  	[sflag:s0] =	ssyncset.done $0x0  }
0x7f: {  	[sflag:s0] =	ssyncadd.s32 $0xFFFFD8F0  }
0x80: {  	_ =	swait.ge [sflag:s2], $0x2710  }
0x81: {  	[sflag:s2] =	ssyncset.done $0x0  }
0x82: {  	[sflag:s2] =	ssyncadd.s32 $0xFFFFD8F0  }
0x83: {  	s29 =	simm.s32 $0x2710;
	[bflag:$0x0] =	sbarrier.arrive $0xFFFF  }
0x84: {  	[tilespmem:s22], [sflag:$0x1] =	stream.indirect.gather [spmem:s1], $0x90, s29, s21, $0xb8;
	[tilespmem:$0x1F5B0] =	vst v63  }
0x85: {  	s29 =	simm.s32 $0x2750  }
0x86: {  	[tilespmem:s23], [sflag:$0x2] =	stream.indirect.gather [spmem:s1], $0x90, s29, s21, $0xb8;
	[tilespmem:$0x1F5B0] =	vst v63  }
0x87: {  	_ =	swait.ge [sflag:s0], $0x2400  }
0x88: {  	[sflag:s0] =	ssyncset.done $0x0  }
0x89: {  	[sflag:s0] =	ssyncadd.s32 $0xFFFFDC00  }
0x8a: {  	[spmem:s1] =	stream.indirect.scatter.add.f32 [tilespmem:s22], [sflag:$0x3], $0x90, s12, s21, $0xb8;
	[tilespmem:$0x1F5B0] =	vst v63  }
0x8b: {  	_ =	swait.ge [sflag:s2], $0x2400  }
0x8c: {  	[sflag:s2] =	ssyncset.done $0x0  }
0x8d: {  	[sflag:s2] =	ssyncadd.s32 $0xFFFFDC00  }
0x8e: {  	[spmem:s1] =	stream.indirect.scatter.add.f32 [tilespmem:s23], [sflag:$0x4], $0x90, s21, s21, $0xb8;
	[tilespmem:$0x1F5B0] =	vst v63  }
0x8f: {  	_ =	swait.ge [sflag:s24], $0x2400  }
0x90: {  	[sflag:s24] =	ssyncset.done $0x0  }
0x91: {  	s29 =	simm.s32 $0x2790;
	[sflag:s24] =	ssyncadd.s32 $0xFFFFDC00  }
0x92: {  	[tilespmem:s22], [sflag:$0x1] =	stream.indirect.gather [spmem:s1], $0x90, s29, s21, $0xb8;
	[tilespmem:$0x1F5B0] =	vst v63  }
0x93: {  	_ =	swait.ge [sflag:s25], $0x2400  }
0x94: {  	[sflag:s25] =	ssyncset.done $0x0  }
0x95: {  	s29 =	simm.s32 $0x27D0;
	[sflag:s25] =	ssyncadd.s32 $0xFFFFDC00  }
0x96: {  	[tilespmem:s23], [sflag:$0x2] =	stream.indirect.gather [spmem:s1], $0x90, s29, s21, $0xb8;
	[tilespmem:$0x1F5B0] =	vst v63  }
0x97: {  	_ =	swait.ge [sflag:s0], $0x2400  }
0x98: {  	[sflag:s0] =	ssyncset.done $0x0  }
0x99: {  	s29 =	simm.s32 $0x80;
	[sflag:s0] =	ssyncadd.s32 $0xFFFFDC00  }
0x9a: {  	[spmem:s1] =	stream.indirect.scatter.add.f32 [tilespmem:s22], [sflag:$0x3], $0x90, s29, s21, $0xb8;
	[tilespmem:$0x1F5B0] =	vst v63  }
0x9b: {  	_ =	swait.ge [sflag:s2], $0x2400  }
0x9c: {  	[sflag:s2] =	ssyncset.done $0x0  }
0x9d: {  	s28 =	simm.s32 $0xFFFF6800;
	s3 =	simm.s32 $0xC0;
	[sflag:s2] =	ssyncadd.s32 $0xFFFFDC00  }
.LBB2_4:
0x9e: {  	[spmem:s1] =	stream.indirect.scatter.add.f32 [tilespmem:s23], [sflag:$0x4], $0x90, s3, s21, $0xb8;
	[tilespmem:$0x1F5B0] =	vst v63  }
0x9f: {  	s3 =	smov.u32 s28  }
0xa0: {  	p0 =	sne.s32 s28, $0xFFFFFE00;
	s28 =	sadd.s32 $0x200, s28;
	_ =	swait.ge [sflag:s24], $0x2400  }
0xa1: {  	s3 =	sshra.s32 s3, $0x2;
	[sflag:s24] =	ssyncset.done $0x0  }
0xa2: {  	s29 =	sadd.s32 $0x4E10, s3;
	[sflag:s24] =	ssyncadd.s32 $0xFFFFDC00  }
0xa3: {  	[tilespmem:s22], [sflag:$0x1] =	stream.indirect.gather [spmem:s1], $0x90, s29, s21, $0xb8;
	[tilespmem:$0x1F5B0] =	vst v63  }
0xa4: {  	_ =	swait.ge [sflag:s25], $0x2400  }
0xa5: {  	[sflag:s25] =	ssyncset.done $0x0  }
0xa6: {  	s29 =	sadd.s32 $0x4E50, s3;
	[sflag:s25] =	ssyncadd.s32 $0xFFFFDC00  }
0xa7: {  	[tilespmem:s23], [sflag:$0x2] =	stream.indirect.gather [spmem:s1], $0x90, s29, s21, $0xb8;
	[tilespmem:$0x1F5B0] =	vst v63  }
0xa8: {  	_ =	swait.ge [sflag:s0], $0x2400  }
0xa9: {  	[sflag:s0] =	ssyncset.done $0x0  }
.Ltmp1:
0xaa: {  	s29 =	sadd.s32 $0x2700, s3;
	[sflag:s0] =	ssyncadd.s32 $0xFFFFDC00;
	(pc) =	sbr.rel @p0 .LBB2_4-.Ltmp1, $4  }
0xab: {  	[spmem:s1] =	stream.indirect.scatter.add.f32 [tilespmem:s22], [sflag:$0x3], $0x90, s29, s21, $0xb8;
	[tilespmem:$0x1F5B0] =	vst v63  }
0xac: {  	_ =	swait.ge [sflag:s2], $0x2400  }
0xad: {  	[sflag:s2] =	ssyncset.done $0x0  }
0xae: {  	s3 =	sadd.s32 $0x2740, s3;
	[sflag:s2] =	ssyncadd.s32 $0xFFFFDC00  }
0xaf: {  	[spmem:s1] =	stream.indirect.scatter.add.f32 [tilespmem:s23], [sflag:$0x4], $0x90, s3, s21, $0xb8;
	[tilespmem:$0x1F5B0] =	vst v63  }
0xb0: {  	_ =	swait.ge [sflag:s24], $0x2400  }
0xb1: {  	[sflag:s24] =	ssyncset.done $0x0  }
0xb2: {  	[sflag:s24] =	ssyncadd.s32 $0xFFFFDC00  }
0xb3: {  	_ =	swait.ge [sflag:s25], $0x2400  }
0xb4: {  	s28 =	simm.s32 $0x4E20;
	[sflag:s25] =	ssyncset.done $0x0  }
0xb5: {  	s3 =	simm.s32 $0x10;
	s29 =	simm.s32 $0x4E10;
	[sflag:s25] =	ssyncadd.s32 $0xFFFFDC00  }
0xb6: {  	[tilespmem:s28], [sflag:$0x1] =	stream.indirect.gather [spmem:s1], $0x90, s29, s3, $0xb8;
	[tilespmem:$0x1F5B0] =	vst v63  }
0xb7: {  	_ =	swait.ge [sflag:s0], $0x900  }
0xb8: {  	[sflag:s0] =	ssyncset.done $0x0  }
0xb9: {  	s29 =	simm.s32 $0x2700;
	[sflag:s0] =	ssyncadd.s32 $0xFFFFF700  }
0xba: {  	[spmem:s1] =	stream.indirect.scatter.add.f32 [tilespmem:s28], [sflag:$0x5], $0x90, s29, s3, $0xb8;
	[tilespmem:$0x1F5B0] =	vst v63  }
0xbb: {  	_ =	swait.ge [sflag:s31], $0x900  }
0xbc: {  	[sflag:s31] =	ssyncset.done $0x0  }
0xbd: {  	[sflag:s31] =	ssyncadd.s32 $0xFFFFF700  }
0xbe: {  	[bflag:$0x0] =	sbarrier.arrive $0xFFFF  }
0xbf: {  	[tilespmem:s28], [sflag:$0x5] =	stream.linear.gather [spmem:s30], $0x2400, $0x38;
	[tilespmem:$0x1F5B0] =	vst v63  }
0xc0: {  	_ =	swait.ge [sflag:s31], $0x2400  }
0xc1: {  	s29 =	simm.s32 $0x10;
	[sflag:s31] =	ssyncset.done $0x0  }
0xc2: {  	s3 =	sadd.s32 $0x0, s4;
	s30 =	simm.s32 $0x4EB0;
	[sflag:s31] =	ssyncadd.s32 $0xFFFFDC00  }
.LBB2_6:
0xc3: {  	[hbm4b:s3+s12] =	stream.linear.scatter [tilespmem:s28], [sflag:$0x5], $0x80, $0x38;
	[tilespmem:$0x1F5B0] =	vst v63  }
0xc4: {  	s3 =	smov.u32 s29;
	s28 =	smov.u32 s30;
	p0 =	sne.s32 s29, $0x3F0  }
.Ltmp2:
0xc5: {  	s29 =	sadd.s32 $0x10, s29;
	(pc) =	sbr.rel @p0 .LBB2_6-.Ltmp2, $2  }
0xc6: {  	_ =	sdelay $0x2  }
0xc7: {  	s30 =	sadd.s32 $0x90, s30;
	s3 =	sadd.s32 s3, s4  }
0xc8: {  	[hbm4b:s3+s12] =	stream.linear.scatter [tilespmem:s28], [sflag:$0x5], $0x80, $0x38;
	[tilespmem:$0x1F5B0] =	vst v63  }
0xc9: {  	_ =	swait.ge [sflag:s31], $0x2000  }
0xca: {  	s28 =	simm.s32 $0x4EA0;
	s29 =	simm.s32 $0x2;
	[sflag:s31] =	ssyncset.done $0x0  }
0xcb: {  	s3 =	sadd.s32 $0x0, s13;
	s30 =	simm.s32 $0x4F30;
	[sflag:s31] =	ssyncadd.s32 $0xFFFFE000  }
.LBB2_8:
0xcc: {  	[hbm4b:s3+s12] =	stream.linear.scatter [tilespmem:s28], [sflag:$0x5], $0x10, $0x38;
	[tilespmem:$0x1F5B0] =	vst v63  }
0xcd: {  	s3 =	smov.u32 s29;
	s28 =	smov.u32 s30;
	p0 =	sne.s32 s29, $0x7E  }
.Ltmp3:
0xce: {  	s29 =	sadd.s32 $0x2, s29;
	(pc) =	sbr.rel @p0 .LBB2_8-.Ltmp3, $2  }
0xcf: {  	_ =	sdelay $0x2  }
0xd0: {  	s30 =	sadd.s32 $0x90, s30;
	s3 =	sadd.s32 s3, s13  }
0xd1: {  	[hbm4b:s3+s12] =	stream.linear.scatter [tilespmem:s28], [sflag:$0x5], $0x10, $0x38;
	[tilespmem:$0x1F5B0] =	vst v63  }
0xd2: {  	_ =	swait.ge [sflag:s31], $0x400  }
0xd3: {  	[sflag:s31] =	ssyncset.done $0x0  }
0xd4: {  	s28 =	simm.s32 $0x4E20;
	s3 =	rddreg [dreg:$0x8];
	[sflag:s31] =	ssyncadd.s32 $0xFFFFFC00  }
0xd5: {  	[tilespmem:s28], [sflag:$0x5] =	stream.linear.gather [spmem:s3], $0x2400, $0x38;
	[tilespmem:$0x1F5B0] =	vst v63  }
0xd6: {  	_ =	swait.ge [sflag:s31], $0x2400  }
0xd7: {  	s29 =	simm.s32 $0x10;
	[sflag:s31] =	ssyncset.done $0x0  }
0xd8: {  	s30 =	simm.s32 $0x4EB0;
	s3 =	sadd.s32 $0x0, s5;
	[sflag:s31] =	ssyncadd.s32 $0xFFFFDC00  }
.LBB2_10:
0xd9: {  	[hbm4b:s3+s12] =	stream.linear.scatter [tilespmem:s28], [sflag:$0x5], $0x80, $0x38;
	[tilespmem:$0x1F5B0] =	vst v63  }
0xda: {  	s3 =	smov.u32 s29;
	s28 =	smov.u32 s30;
	p0 =	sne.s32 s29, $0x3F0  }
.Ltmp4:
0xdb: {  	s29 =	sadd.s32 $0x10, s29;
	(pc) =	sbr.rel @p0 .LBB2_10-.Ltmp4, $2  }
0xdc: {  	_ =	sdelay $0x2  }
0xdd: {  	s30 =	sadd.s32 $0x90, s30;
	s3 =	sadd.s32 s3, s5  }
0xde: {  	[hbm4b:s3+s12] =	stream.linear.scatter [tilespmem:s28], [sflag:$0x5], $0x80, $0x38;
	[tilespmem:$0x1F5B0] =	vst v63  }
0xdf: {  	_ =	swait.ge [sflag:s31], $0x2000  }
0xe0: {  	s28 =	simm.s32 $0x4EA0;
	s29 =	simm.s32 $0x2;
	[sflag:s31] =	ssyncset.done $0x0  }
0xe1: {  	s3 =	sadd.s32 $0x0, s14;
	s30 =	simm.s32 $0x4F30;
	[sflag:s31] =	ssyncadd.s32 $0xFFFFE000  }
.LBB2_12:
0xe2: {  	[hbm4b:s3+s12] =	stream.linear.scatter [tilespmem:s28], [sflag:$0x5], $0x10, $0x38;
	[tilespmem:$0x1F5B0] =	vst v63  }
0xe3: {  	s3 =	smov.u32 s29;
	s28 =	smov.u32 s30;
	p0 =	sne.s32 s29, $0x7E  }
.Ltmp5:
0xe4: {  	s29 =	sadd.s32 $0x2, s29;
	(pc) =	sbr.rel @p0 .LBB2_12-.Ltmp5, $2  }
0xe5: {  	_ =	sdelay $0x2  }
0xe6: {  	s30 =	sadd.s32 $0x90, s30;
	s3 =	sadd.s32 s3, s14  }
0xe7: {  	[hbm4b:s3+s12] =	stream.linear.scatter [tilespmem:s28], [sflag:$0x5], $0x10, $0x38;
	[tilespmem:$0x1F5B0] =	vst v63  }
0xe8: {  	_ =	swait.ge [sflag:s31], $0x400  }
0xe9: {  	[sflag:s31] =	ssyncset.done $0x0  }
0xea: {  	s28 =	simm.s32 $0x4E20;
	s3 =	rddreg [dreg:$0x9];
	[sflag:s31] =	ssyncadd.s32 $0xFFFFFC00  }
0xeb: {  	[tilespmem:s28], [sflag:$0x5] =	stream.linear.gather [spmem:s3], $0x2400, $0x38;
	[tilespmem:$0x1F5B0] =	vst v63  }
0xec: {  	_ =	swait.ge [sflag:s31], $0x2400  }
0xed: {  	s29 =	simm.s32 $0x10;
	[sflag:s31] =	ssyncset.done $0x0  }
0xee: {  	s30 =	simm.s32 $0x4EB0;
	s3 =	sadd.s32 $0x0, s6;
	[sflag:s31] =	ssyncadd.s32 $0xFFFFDC00  }
.LBB2_14:
0xef: {  	[hbm4b:s3+s12] =	stream.linear.scatter [tilespmem:s28], [sflag:$0x5], $0x80, $0x38;
	[tilespmem:$0x1F5B0] =	vst v63  }
0xf0: {  	s3 =	smov.u32 s29;
	s28 =	smov.u32 s30;
	p0 =	sne.s32 s29, $0x3F0  }
.Ltmp6:
0xf1: {  	s29 =	sadd.s32 $0x10, s29;
	(pc) =	sbr.rel @p0 .LBB2_14-.Ltmp6, $2  }
0xf2: {  	_ =	sdelay $0x2  }
0xf3: {  	s30 =	sadd.s32 $0x90, s30;
	s3 =	sadd.s32 s3, s6  }
0xf4: {  	[hbm4b:s3+s12] =	stream.linear.scatter [tilespmem:s28], [sflag:$0x5], $0x80, $0x38;
	[tilespmem:$0x1F5B0] =	vst v63  }
0xf5: {  	_ =	swait.ge [sflag:s31], $0x2000  }
0xf6: {  	s28 =	simm.s32 $0x4EA0;
	s29 =	simm.s32 $0x2;
	[sflag:s31] =	ssyncset.done $0x0  }
0xf7: {  	s3 =	sadd.s32 $0x0, s15;
	s30 =	simm.s32 $0x4F30;
	[sflag:s31] =	ssyncadd.s32 $0xFFFFE000  }
.LBB2_16:
0xf8: {  	[hbm4b:s3+s12] =	stream.linear.scatter [tilespmem:s28], [sflag:$0x5], $0x10, $0x38;
	[tilespmem:$0x1F5B0] =	vst v63  }
0xf9: {  	s3 =	smov.u32 s29;
	s28 =	smov.u32 s30;
	p0 =	sne.s32 s29, $0x7E  }
.Ltmp7:
0xfa: {  	s29 =	sadd.s32 $0x2, s29;
	(pc) =	sbr.rel @p0 .LBB2_16-.Ltmp7, $2  }
0xfb: {  	_ =	sdelay $0x2  }
0xfc: {  	s30 =	sadd.s32 $0x90, s30;
	s3 =	sadd.s32 s3, s15  }
0xfd: {  	[hbm4b:s3+s12] =	stream.linear.scatter [tilespmem:s28], [sflag:$0x5], $0x10, $0x38;
	[tilespmem:$0x1F5B0] =	vst v63  }
0xfe: {  	_ =	swait.ge [sflag:s31], $0x400  }
0xff: {  	[sflag:s31] =	ssyncset.done $0x0  }
0x100: {  	s28 =	simm.s32 $0x4E20;
	s3 =	rddreg [dreg:$0xa];
	[sflag:s31] =	ssyncadd.s32 $0xFFFFFC00  }
0x101: {  	[tilespmem:s28], [sflag:$0x5] =	stream.linear.gather [spmem:s3], $0x2400, $0x38;
	[tilespmem:$0x1F5B0] =	vst v63  }
0x102: {  	_ =	swait.ge [sflag:s31], $0x2400  }
0x103: {  	s29 =	simm.s32 $0x10;
	[sflag:s31] =	ssyncset.done $0x0  }
0x104: {  	s30 =	simm.s32 $0x4EB0;
	s3 =	sadd.s32 $0x0, s7;
	[sflag:s31] =	ssyncadd.s32 $0xFFFFDC00  }
.LBB2_18:
0x105: {  	[hbm4b:s3+s12] =	stream.linear.scatter [tilespmem:s28], [sflag:$0x5], $0x80, $0x38;
	[tilespmem:$0x1F5B0] =	vst v63  }
0x106: {  	s3 =	smov.u32 s29;
	s28 =	smov.u32 s30;
	p0 =	sne.s32 s29, $0x3F0  }
.Ltmp8:
0x107: {  	s29 =	sadd.s32 $0x10, s29;
	(pc) =	sbr.rel @p0 .LBB2_18-.Ltmp8, $2  }
0x108: {  	_ =	sdelay $0x2  }
0x109: {  	s30 =	sadd.s32 $0x90, s30;
	s3 =	sadd.s32 s3, s7  }
0x10a: {  	[hbm4b:s3+s12] =	stream.linear.scatter [tilespmem:s28], [sflag:$0x5], $0x80, $0x38;
	[tilespmem:$0x1F5B0] =	vst v63  }
0x10b: {  	_ =	swait.ge [sflag:s31], $0x2000  }
0x10c: {  	s28 =	simm.s32 $0x4EA0;
	s29 =	simm.s32 $0x2;
	[sflag:s31] =	ssyncset.done $0x0  }
0x10d: {  	s3 =	sadd.s32 $0x0, s16;
	s30 =	simm.s32 $0x4F30;
	[sflag:s31] =	ssyncadd.s32 $0xFFFFE000  }
.LBB2_20:
0x10e: {  	[hbm4b:s3+s12] =	stream.linear.scatter [tilespmem:s28], [sflag:$0x5], $0x10, $0x38;
	[tilespmem:$0x1F5B0] =	vst v63  }
0x10f: {  	s3 =	smov.u32 s29;
	s28 =	smov.u32 s30;
	p0 =	sne.s32 s29, $0x7E  }
.Ltmp9:
0x110: {  	s29 =	sadd.s32 $0x2, s29;
	(pc) =	sbr.rel @p0 .LBB2_20-.Ltmp9, $2  }
0x111: {  	_ =	sdelay $0x2  }
0x112: {  	s30 =	sadd.s32 $0x90, s30;
	s3 =	sadd.s32 s3, s16  }
0x113: {  	[hbm4b:s3+s12] =	stream.linear.scatter [tilespmem:s28], [sflag:$0x5], $0x10, $0x38;
	[tilespmem:$0x1F5B0] =	vst v63  }
0x114: {  	_ =	swait.ge [sflag:s31], $0x400  }
0x115: {  	[sflag:s31] =	ssyncset.done $0x0  }
0x116: {  	s28 =	simm.s32 $0x4E20;
	s3 =	rddreg [dreg:$0xb];
	[sflag:s31] =	ssyncadd.s32 $0xFFFFFC00  }
0x117: {  	[tilespmem:s28], [sflag:$0x5] =	stream.linear.gather [spmem:s3], $0x2400, $0x38;
	[tilespmem:$0x1F5B0] =	vst v63  }
0x118: {  	_ =	swait.ge [sflag:s31], $0x2400  }
0x119: {  	s29 =	simm.s32 $0x10;
	[sflag:s31] =	ssyncset.done $0x0  }
0x11a: {  	s30 =	simm.s32 $0x4EB0;
	s3 =	sadd.s32 $0x0, s8;
	[sflag:s31] =	ssyncadd.s32 $0xFFFFDC00  }
.LBB2_22:
0x11b: {  	[hbm4b:s3+s12] =	stream.linear.scatter [tilespmem:s28], [sflag:$0x5], $0x80, $0x38;
	[tilespmem:$0x1F5B0] =	vst v63  }
0x11c: {  	s3 =	smov.u32 s29;
	s28 =	smov.u32 s30;
	p0 =	sne.s32 s29, $0x3F0  }
.Ltmp10:
0x11d: {  	s29 =	sadd.s32 $0x10, s29;
	(pc) =	sbr.rel @p0 .LBB2_22-.Ltmp10, $2  }
0x11e: {  	_ =	sdelay $0x2  }
0x11f: {  	s30 =	sadd.s32 $0x90, s30;
	s3 =	sadd.s32 s3, s8  }
0x120: {  	[hbm4b:s3+s12] =	stream.linear.scatter [tilespmem:s28], [sflag:$0x5], $0x80, $0x38;
	[tilespmem:$0x1F5B0] =	vst v63  }
0x121: {  	_ =	swait.ge [sflag:s31], $0x2000  }
0x122: {  	s28 =	simm.s32 $0x4EA0;
	s29 =	simm.s32 $0x2;
	[sflag:s31] =	ssyncset.done $0x0  }
0x123: {  	s3 =	sadd.s32 $0x0, s17;
	s30 =	simm.s32 $0x4F30;
	[sflag:s31] =	ssyncadd.s32 $0xFFFFE000  }
.LBB2_24:
0x124: {  	[hbm4b:s3+s12] =	stream.linear.scatter [tilespmem:s28], [sflag:$0x5], $0x10, $0x38;
	[tilespmem:$0x1F5B0] =	vst v63  }
0x125: {  	s3 =	smov.u32 s29;
	s28 =	smov.u32 s30;
	p0 =	sne.s32 s29, $0x7E  }
.Ltmp11:
0x126: {  	s29 =	sadd.s32 $0x2, s29;
	(pc) =	sbr.rel @p0 .LBB2_24-.Ltmp11, $2  }
0x127: {  	_ =	sdelay $0x2  }
0x128: {  	s30 =	sadd.s32 $0x90, s30;
	s3 =	sadd.s32 s3, s17  }
0x129: {  	[hbm4b:s3+s12] =	stream.linear.scatter [tilespmem:s28], [sflag:$0x5], $0x10, $0x38;
	[tilespmem:$0x1F5B0] =	vst v63  }
0x12a: {  	_ =	swait.ge [sflag:s31], $0x400  }
0x12b: {  	[sflag:s31] =	ssyncset.done $0x0  }
0x12c: {  	s28 =	simm.s32 $0x4E20;
	s3 =	rddreg [dreg:$0xc];
	[sflag:s31] =	ssyncadd.s32 $0xFFFFFC00  }
0x12d: {  	[tilespmem:s28], [sflag:$0x5] =	stream.linear.gather [spmem:s3], $0x2400, $0x38;
	[tilespmem:$0x1F5B0] =	vst v63  }
0x12e: {  	_ =	swait.ge [sflag:s31], $0x2400  }
0x12f: {  	s29 =	simm.s32 $0x10;
	[sflag:s31] =	ssyncset.done $0x0  }
0x130: {  	s30 =	simm.s32 $0x4EB0;
	s3 =	sadd.s32 $0x0, s9;
	[sflag:s31] =	ssyncadd.s32 $0xFFFFDC00  }
.LBB2_26:
0x131: {  	[hbm4b:s3+s12] =	stream.linear.scatter [tilespmem:s28], [sflag:$0x5], $0x80, $0x38;
	[tilespmem:$0x1F5B0] =	vst v63  }
0x132: {  	s3 =	smov.u32 s29;
	s28 =	smov.u32 s30;
	p0 =	sne.s32 s29, $0x3F0  }
.Ltmp12:
0x133: {  	s29 =	sadd.s32 $0x10, s29;
	(pc) =	sbr.rel @p0 .LBB2_26-.Ltmp12, $2  }
0x134: {  	_ =	sdelay $0x2  }
0x135: {  	s30 =	sadd.s32 $0x90, s30;
	s3 =	sadd.s32 s3, s9  }
0x136: {  	[hbm4b:s3+s12] =	stream.linear.scatter [tilespmem:s28], [sflag:$0x5], $0x80, $0x38;
	[tilespmem:$0x1F5B0] =	vst v63  }
0x137: {  	_ =	swait.ge [sflag:s31], $0x2000  }
0x138: {  	s28 =	simm.s32 $0x4EA0;
	s29 =	simm.s32 $0x2;
	[sflag:s31] =	ssyncset.done $0x0  }
0x139: {  	s3 =	sadd.s32 $0x0, s18;
	s30 =	simm.s32 $0x4F30;
	[sflag:s31] =	ssyncadd.s32 $0xFFFFE000  }
.LBB2_28:
0x13a: {  	[hbm4b:s3+s12] =	stream.linear.scatter [tilespmem:s28], [sflag:$0x5], $0x10, $0x38;
	[tilespmem:$0x1F5B0] =	vst v63  }
0x13b: {  	s3 =	smov.u32 s29;
	s28 =	smov.u32 s30;
	p0 =	sne.s32 s29, $0x7E  }
.Ltmp13:
0x13c: {  	s29 =	sadd.s32 $0x2, s29;
	(pc) =	sbr.rel @p0 .LBB2_28-.Ltmp13, $2  }
0x13d: {  	_ =	sdelay $0x2  }
0x13e: {  	s30 =	sadd.s32 $0x90, s30;
	s3 =	sadd.s32 s3, s18  }
0x13f: {  	[hbm4b:s3+s12] =	stream.linear.scatter [tilespmem:s28], [sflag:$0x5], $0x10, $0x38;
	[tilespmem:$0x1F5B0] =	vst v63  }
0x140: {  	_ =	swait.ge [sflag:s31], $0x400  }
0x141: {  	[sflag:s31] =	ssyncset.done $0x0  }
0x142: {  	s28 =	simm.s32 $0x4E20;
	s3 =	rddreg [dreg:$0xd];
	[sflag:s31] =	ssyncadd.s32 $0xFFFFFC00  }
0x143: {  	[tilespmem:s28], [sflag:$0x5] =	stream.linear.gather [spmem:s3], $0x2400, $0x38;
	[tilespmem:$0x1F5B0] =	vst v63  }
0x144: {  	_ =	swait.ge [sflag:s31], $0x2400  }
0x145: {  	s29 =	simm.s32 $0x10;
	[sflag:s31] =	ssyncset.done $0x0  }
0x146: {  	s30 =	simm.s32 $0x4EB0;
	s3 =	sadd.s32 $0x0, s10;
	[sflag:s31] =	ssyncadd.s32 $0xFFFFDC00  }
.LBB2_30:
0x147: {  	[hbm4b:s3+s12] =	stream.linear.scatter [tilespmem:s28], [sflag:$0x5], $0x80, $0x38;
	[tilespmem:$0x1F5B0] =	vst v63  }
0x148: {  	s3 =	smov.u32 s29;
	s28 =	smov.u32 s30;
	p0 =	sne.s32 s29, $0x3F0  }
.Ltmp14:
0x149: {  	s29 =	sadd.s32 $0x10, s29;
	(pc) =	sbr.rel @p0 .LBB2_30-.Ltmp14, $2  }
0x14a: {  	_ =	sdelay $0x2  }
0x14b: {  	s30 =	sadd.s32 $0x90, s30;
	s3 =	sadd.s32 s3, s10  }
0x14c: {  	[hbm4b:s3+s12] =	stream.linear.scatter [tilespmem:s28], [sflag:$0x5], $0x80, $0x38;
	[tilespmem:$0x1F5B0] =	vst v63  }
0x14d: {  	_ =	swait.ge [sflag:s31], $0x2000  }
0x14e: {  	s28 =	simm.s32 $0x4EA0;
	s29 =	simm.s32 $0x2;
	[sflag:s31] =	ssyncset.done $0x0  }
0x14f: {  	s3 =	sadd.s32 $0x0, s19;
	s30 =	simm.s32 $0x4F30;
	[sflag:s31] =	ssyncadd.s32 $0xFFFFE000  }
.LBB2_32:
0x150: {  	[hbm4b:s3+s12] =	stream.linear.scatter [tilespmem:s28], [sflag:$0x5], $0x10, $0x38;
	[tilespmem:$0x1F5B0] =	vst v63  }
0x151: {  	s3 =	smov.u32 s29;
	s28 =	smov.u32 s30;
	p0 =	sne.s32 s29, $0x7E  }
.Ltmp15:
0x152: {  	s29 =	sadd.s32 $0x2, s29;
	(pc) =	sbr.rel @p0 .LBB2_32-.Ltmp15, $2  }
0x153: {  	_ =	sdelay $0x2  }
0x154: {  	s30 =	sadd.s32 $0x90, s30;
	s3 =	sadd.s32 s3, s19  }
0x155: {  	[hbm4b:s3+s12] =	stream.linear.scatter [tilespmem:s28], [sflag:$0x5], $0x10, $0x38;
	[tilespmem:$0x1F5B0] =	vst v63  }
0x156: {  	_ =	swait.ge [sflag:s31], $0x400  }
0x157: {  	[sflag:s31] =	ssyncset.done $0x0  }
0x158: {  	s28 =	simm.s32 $0x4E20;
	s3 =	rddreg [dreg:$0xf];
	[sflag:s31] =	ssyncadd.s32 $0xFFFFFC00  }
0x159: {  	[tilespmem:s28], [sflag:$0x5] =	stream.linear.gather [spmem:s3], $0x1D40, $0x38;
	[tilespmem:$0x1F5B0] =	vst v63  }
0x15a: {  	_ =	swait.ge [sflag:s31], $0x1D40  }
0x15b: {  	s29 =	simm.s32 $0x10;
	[sflag:s31] =	ssyncset.done $0x0  }
0x15c: {  	s30 =	simm.s32 $0x4EB0;
	s3 =	sadd.s32 $0x0, s11;
	[sflag:s31] =	ssyncadd.s32 $0xFFFFE2C0  }
.LBB2_34:
0x15d: {  	[hbm4b:s3+s12] =	stream.linear.scatter [tilespmem:s28], [sflag:$0x5], $0x80, $0x38;
	[tilespmem:$0x1F5B0] =	vst v63  }
0x15e: {  	s3 =	smov.u32 s29;
	s28 =	smov.u32 s30;
	p0 =	sne.s32 s29, $0x330  }
.Ltmp16:
0x15f: {  	s29 =	sadd.s32 $0x10, s29;
	(pc) =	sbr.rel @p0 .LBB2_34-.Ltmp16, $2  }
0x160: {  	_ =	sdelay $0x2  }
0x161: {  	s30 =	sadd.s32 $0x90, s30;
	s3 =	sadd.s32 s3, s11  }
0x162: {  	[hbm4b:s3+s12] =	stream.linear.scatter [tilespmem:s28], [sflag:$0x5], $0x80, $0x38;
	[tilespmem:$0x1F5B0] =	vst v63  }
0x163: {  	_ =	swait.ge [sflag:s31], $0x1A00  }
0x164: {  	s28 =	simm.s32 $0x4EA0;
	s29 =	simm.s32 $0x2;
	[sflag:s31] =	ssyncset.done $0x0  }
0x165: {  	s3 =	sadd.s32 $0x0, s20;
	s30 =	simm.s32 $0x4F30;
	[sflag:s31] =	ssyncadd.s32 $0xFFFFE600  }
.LBB2_36:
0x166: {  	[hbm4b:s3+s12] =	stream.linear.scatter [tilespmem:s28], [sflag:$0x5], $0x10, $0x38;
	[tilespmem:$0x1F5B0] =	vst v63  }
0x167: {  	s3 =	smov.u32 s29;
	s28 =	smov.u32 s30;
	p0 =	sne.s32 s29, $0x66  }
.Ltmp17:
0x168: {  	s29 =	sadd.s32 $0x2, s29;
	(pc) =	sbr.rel @p0 .LBB2_36-.Ltmp17, $2  }
0x169: {  	_ =	sdelay $0x2  }
0x16a: {  	s30 =	sadd.s32 $0x90, s30;
	s3 =	sadd.s32 s3, s20  }
0x16b: {  	[hbm4b:s3+s12] =	stream.linear.scatter [tilespmem:s28], [sflag:$0x5], $0x10, $0x38;
	[tilespmem:$0x1F5B0] =	vst v63  }
0x16c: {  	_ =	swait.ge [sflag:s31], $0x340  }
0x16d: {  	s26 =	sadd.s32 $0x1, s26;
	s29 =	rddreg [dreg:$0x12]  }
0x16e: {  	p0 =	sne.s32 s26, s29  }
.Ltmp18:
0x16f: {  	_ = 	snop;
	(pc) =	sbr.rel @p0 .LBB2_1-.Ltmp18, $3  }
0x170: {  	_ =	sdelay $0x1  }
0x171: {  	[sflag:s31] =	ssyncset.done $0x0  }
0x172: {  	s30 =	rddreg [dreg:$0x7];
	[sflag:s31] =	ssyncadd.s32 $0xFFFFFCC0  }
0x173: {  	_ =	sfence.sel $0x180000  }
0x174: {  	[bflag:$0x0] =	sbarrier.arrive $0xFFFF  }
0x175: {  	_ =	strace $0x90000047  }
0x176: {  	s0 =	stileid.u32;
	[bflag:$0x2] =	sbarrier.arrive $0xFFFF  }
0x177: {  	p0 =	sne.s32 s0, $0x0;
	s0 =	rddreg [dreg:$0x3]  }
0x178: {  	s0 =	sadd.s32 @!p0 $0x100000, s0  }
0x179: {  	[sflag:s0] =	ssyncadd.tile.s32 @!p0 $0x1;
	_ =	shalt  }
.Lfunc_end2:
_tile_overlayer_lowered:
.L_overlay_start_2:
0x17a: {  	(tag) =	ssettag $0x2  }
0x17b: {  	s0 =	rddreg [dreg:$0x0];
	s2 =	stileid.u32  }
0x17c: {  	s1 =	rddreg [dreg:$0x1];
	p0 =	sne.s32 s2, $0x0  }
0x17d: {  	s3 =	rddreg [dreg:$0x2];
	[bflag:$0x3] =	sbarrier.arrive $0xFFFF;
	s2 =	simm.s32 @!p0 $0x1C05  }
0x17e: {  	[timem:s3], [sflag:s2] =	dma.local @!p0 [hbm:s0], s1  }
0x17f: {  	s0 =	simm.s32 @!p0 $0x5  }
0x180: {  	_ =	swait.ge @!p0 [sflag:s0], s1  }
0x181: {  	s1 =	ssub.s32 @!p0 $0x0, s1;
	[sflag:s0] =	ssyncset.done @!p0 $0x0  }
0x182: {  	[sflag:s0] =	ssyncadd.s32 @!p0 s1  }
0x183: {  	[bflag:$0x3] =	sbarrier.arrive $0xFFFF  }
0x184: {  	_ =	shalt  }

</sc_bundles>
